<compile_context>
chip_gen: v7x
topology: tpu7x:2x2x1
jax: 0.10.2.dev20260603
libtpu: 0.0.44.dev20260713+nightly
codegen_flags: <defaults>
</compile_context>

<pallas_src>
import functools

import jax
import jax.numpy as jnp
from jax import lax
from jax.experimental import pallas as pl
from jax.experimental.pallas import tpu as pltpu
from jax.experimental.pallas import tpu_sc as plsc

_PADDING_IDX = 1
_L = 16
_C = 32
_NBUF = 3


def _sc_lookup(total_rows, seq_len, embed_dim):
    nw = 32
    rows_w = total_rows // nw
    nchunk = rows_w // _C
    ngroups = rows_w // _L
    idx_pad = rows_w + 2 * _C

    mesh = plsc.VectorSubcoreMesh(core_axis_name="c", subcore_axis_name="s")

    @functools.partial(
        pl.kernel, mesh=mesh,
        out_type=jax.ShapeDtypeStruct((total_rows, embed_dim), jnp.float32),
        scratch_types=[
            pltpu.VMEM((idx_pad,), jnp.int32),
            pltpu.VMEM((rows_w,), jnp.int32),
            pltpu.VMEM((_NBUF, _C, embed_dim), jnp.float32),
            pltpu.SemaphoreType.DMA,
            pltpu.SemaphoreType.DMA,
            pltpu.SemaphoreType.DMA,
            pltpu.SemaphoreType.DMA,
            pltpu.SemaphoreType.DMA,
            pltpu.SemaphoreType.DMA,
        ],
    )
    def k(table_hbm, x_hbm, out_hbm, idx_v, x_v, rows_v,
          g0, g1, g2, s0_, s1_, s2_):
        gsems = (g0, g1, g2)
        ssems = (s0_, s1_, s2_)
        wid = lax.axis_index("s") * 2 + lax.axis_index("c")
        row0 = wid * rows_w
        seq0 = lax.rem(row0, seq_len)
        pltpu.sync_copy(x_hbm.at[pl.ds(row0, rows_w)], x_v)

        lane = lax.iota(jnp.int32, _L)

        def mk_idx(g, _):
            xv = x_v[pl.ds(g * _L, _L)]
            pos = (seq0 + _PADDING_IDX + 1 + g * _L) + lane
            idx_v[pl.ds(g * _L, _L)] = jnp.where(
                xv == _PADDING_IDX, _PADDING_IDX, pos)
            return 0

        lax.fori_loop(0, ngroups, mk_idx, 0)
        zero = jnp.zeros((_L,), jnp.int32)
        for g in range(ngroups, idx_pad // _L):
            idx_v[pl.ds(g * _L, _L)] = zero

        def gather(kk, b):
            return pltpu.make_async_copy(
                table_hbm.at[idx_v.at[pl.ds(kk * _C, _C)]],
                rows_v.at[b], gsems[b])

        def scatter(kk, b):
            return pltpu.make_async_copy(
                rows_v.at[b], out_hbm.at[pl.ds(row0 + kk * _C, _C)],
                ssems[b])

        gather(0, 0).start()

        def step(g, _):
            for b0 in range(_NBUF):
                kk = g * _NBUF + b0
                bn = (b0 + 1) % _NBUF

                @pl.when(kk >= 2)
                def _():
                    scatter(kk - 2, bn).wait()
                gather(kk + 1, bn).start()
                gather(kk, b0).wait()
                scatter(kk, b0).start()
            return 0

        lax.fori_loop(0, nchunk // _NBUF, step, 0)
        for kk in range((nchunk // _NBUF) * _NBUF, nchunk):
            b0 = kk % _NBUF
            bn = (b0 + 1) % _NBUF
            scatter(kk - 2, bn).wait()
            gather(kk + 1, bn).start()
            gather(kk, b0).wait()
            scatter(kk, b0).start()
        gather(nchunk, nchunk % _NBUF).wait()
        scatter(nchunk - 2, (nchunk - 2) % _NBUF).wait()
        scatter(nchunk - 1, (nchunk - 1) % _NBUF).wait()

    return k


def kernel(x, weights):
    bsz, seq_len = x.shape
    embed_dim = weights.shape[1]
    total = bsz * seq_len
    flat = _sc_lookup(total, seq_len, embed_dim)(weights, x.reshape(-1))
    return jax.lax.stop_gradient(flat.reshape(bsz, seq_len, embed_dim))

# --- scband reference (transcript-rebuilt; emitter-appended) ---
"""Pipeline reference for scband-sinusoidal-positional-embedding-3410204033590 (READ-ONLY COPY).

The authoritative reference and input builder live on the scoring server;
editing this copy changes nothing except your own understanding.
"""

import math
import jax, jax.numpy as jnp
import numpy as np

EMBED_DIM = 1024
PADDING_IDX = 1
BATCH = 4
SEQ_LEN = 8192


def get_embedding(num_embeddings, embed_dim, padding_idx):
    half_dim = embed_dim // 2
    emb_scale = math.log(10000.0) / (half_dim - 1)
    emb = jnp.exp(jnp.arange(half_dim, dtype=jnp.float32) * -emb_scale)
    emb = jnp.arange(num_embeddings, dtype=jnp.float32)[:, None] * emb[None, :]
    emb = jnp.concatenate([jnp.sin(emb), jnp.cos(emb)], axis=1).reshape(num_embeddings, -1)
    if embed_dim % 2 == 1:
        emb = jnp.concatenate([emb, jnp.zeros((num_embeddings, 1), dtype=jnp.float32)], axis=1)
    if padding_idx is not None:
        emb = emb.at[padding_idx, :].set(0.0)
    return emb


def setup_inputs(seed: int = 0) -> dict:
    key = jax.random.key(seed)
    k1, _ = jax.random.split(key)
    x = jax.random.randint(k1, (BATCH, SEQ_LEN), 0, 50000, dtype=jnp.int32)
    max_pos = PADDING_IDX + 1 + SEQ_LEN
    weights = get_embedding(max_pos, EMBED_DIM, PADDING_IDX)
    return {"x": x, "weights": weights}


def make_positions(x, padding_idx):
    mask = (x != padding_idx)
    range_buf = jnp.broadcast_to(jnp.arange(x.shape[1], dtype=jnp.int32)[None, :] + padding_idx + 1, x.shape)
    m = mask.astype(jnp.int32)
    return range_buf * m + padding_idx * (1 - m)


def reference(x, weights):
    bsz, seq_len = x.shape
    positions = make_positions(x, PADDING_IDX)
    out = jnp.take(weights, positions.reshape(-1), axis=0).reshape(bsz, seq_len, -1)
    return jax.lax.stop_gradient(out)

if __name__ == "__main__":
    import jax
    _d = setup_inputs()
    print(jax.jit(kernel)(*tuple(_d.values())))

</pallas_src>

<mosaic_0001>
#map = affine_map<(d0, d1) -> (0, 0)>
#map1 = affine_map<(d0, d1) -> (0)>
module attributes {stable_mosaic.version = 14 : i64} {
  func.func @k(%arg0: i32, %arg1: i32, %arg2: memref<8194x1024xf32, #tpu.memory_space<hbm>>, %arg3: memref<32768xi32, #tpu.memory_space<hbm>>, %arg4: memref<32768x1024xf32, #tpu.memory_space<hbm>>, %arg5: memref<1088xi32, #tpu.memory_space<vmem>>, %arg6: memref<1024xi32, #tpu.memory_space<vmem>>, %arg7: memref<3x32x1024xf32, #tpu.memory_space<vmem>>, %arg8: memref<!tpu.dma_semaphore, #tpu.memory_space<semaphore_mem>>, %arg9: memref<!tpu.dma_semaphore, #tpu.memory_space<semaphore_mem>>, %arg10: memref<!tpu.dma_semaphore, #tpu.memory_space<semaphore_mem>>, %arg11: memref<!tpu.dma_semaphore, #tpu.memory_space<semaphore_mem>>, %arg12: memref<!tpu.dma_semaphore, #tpu.memory_space<semaphore_mem>>, %arg13: memref<!tpu.dma_semaphore, #tpu.memory_space<semaphore_mem>>) attributes {dimension_semantics = [#tpu.dimension_semantics<core_parallel>, #tpu.dimension_semantics<subcore_parallel>], iteration_bounds = array<i64: 2, 16>, scalar_prefetch = 0 : i64, scratch_operands = 9 : i64, tpu.core_type = #tpu.core_type<sc_vector_subcore>, window_params = [{transform_indices = #map}, {transform_indices = #map1}, {transform_indices = #map}]} {
    %mul3A = arith.constant 2 : i32
    %mul3A_0 = arith.muli %arg1, %mul3A : i32
    %add3A = arith.addi %mul3A_0, %arg0 : i32
    %mul3A_1 = arith.constant 1024 : i32
    %mul3A_2 = arith.muli %add3A, %mul3A_1 : i32
    %rem3A = arith.constant 8192 : i32
    %rem3A_3 = arith.remsi %mul3A_2, %rem3A : i32
    "tpu.region"() ({
      %run_scoped3A = tpu.sem_alloc : memref<!tpu.dma_semaphore, #tpu.memory_space<semaphore_mem>>
      %dma_start3A_181 = tpu.memref_slice %arg3[%mul3A_2] : memref<32768xi32, #tpu.memory_space<hbm>> -> memref<1024xi32, #tpu.memory_space<hbm>>
      %dma_start3A_182 = tpu.memref_slice %arg3[%mul3A_2] : memref<32768xi32, #tpu.memory_space<hbm>> -> memref<1024xi32, #tpu.memory_space<hbm>>
      tpu.enqueue_dma source(%dma_start3A_182 : memref<1024xi32, #tpu.memory_space<hbm>>) target(%arg6 : memref<1024xi32, #tpu.memory_space<vmem>>) target_semaphore(%run_scoped3A : memref<!tpu.dma_semaphore, #tpu.memory_space<semaphore_mem>>)
      %dma_wait3A_183 = tpu.memref_slice %arg3[%mul3A_2] : memref<32768xi32, #tpu.memory_space<hbm>> -> memref<1024xi32, #tpu.memory_space<hbm>>
      %dma_wait3A_184 = tpu.memref_slice %arg3[%mul3A_2] : memref<32768xi32, #tpu.memory_space<hbm>> -> memref<1024xi32, #tpu.memory_space<hbm>>
      tpu.wait_dma2 semaphore(%run_scoped3A : memref<!tpu.dma_semaphore, #tpu.memory_space<semaphore_mem>>) src(%dma_wait3A_184 : memref<1024xi32, #tpu.memory_space<hbm>>) dst(%arg6 : memref<1024xi32, #tpu.memory_space<vmem>>)
      tpu.yield
    }) : () -> ()
    %iota3A = tpu.iota {dimensions = array<i32: 0>} : vector<16xi32>
    %scan3A = arith.constant 0 : i32
    %scan3A_4 = arith.constant 0 : i32
    %scan3A_5 = arith.constant 64 : i32
    %scan3A_6 = arith.addi %scan3A_4, %scan3A_5 : i32
    %scan3A_7 = arith.constant 1 : i32
    %scan3A_8 = scf.for %scan3A_181 = %scan3A_4 to %scan3A_6 step %scan3A_7 iter_args(%scan3A_182 = %scan3A) -> (i32)  : i32 {
      %mul3A_183 = arith.constant 16 : i32
      %mul3A_184 = arith.muli %scan3A_181, %mul3A_183 : i32
      %get3A = arith.index_cast %mul3A_184 : i32 to index
      %get3A_185 = tpu.vector_load %arg6[%get3A] {strides = array<i32>} : memref<1024xi32, #tpu.memory_space<vmem>>, vector<16xi32>,
      %get3A_186 = vector.shape_cast %get3A_185 : vector<16xi32> to vector<16xi32>
      %add3A_187 = arith.constant 1 : i32
      %add3A_188 = arith.addi %rem3A_3, %add3A_187 : i32
      %add3A_189 = arith.constant 1 : i32
      %add3A_190 = arith.addi %add3A_188, %add3A_189 : i32
      %mul3A_191 = arith.constant 16 : i32
      %mul3A_192 = arith.muli %scan3A_181, %mul3A_191 : i32
      %add3A_193 = arith.addi %add3A_190, %mul3A_192 : i32
      %add3A_194 = vector.broadcast %add3A_193 : i32 to vector<16xi32>
      %add3A_195 = arith.addi %add3A_194, %iota3A : vector<16xi32>
      %eq3A = arith.constant 1 : i32
      %eq3A_196 = vector.broadcast %eq3A : i32 to vector<16xi32>
      %eq3A_197 = arith.cmpi eq, %get3A_186, %eq3A_196 : vector<16xi32>
      %jit3A = arith.constant 1 : i32
      %broadcast_in_dim3A_198 = vector.broadcast %jit3A : i32 to vector<16xi32>
      %select_n3A = arith.select %eq3A_197, %broadcast_in_dim3A_198, %add3A_195 : vector<16xi1>, vector<16xi32>
      %mul3A_199 = arith.constant 16 : i32
      %mul3A_200 = arith.muli %scan3A_181, %mul3A_199 : i32
      %swap3A_201 = arith.index_cast %mul3A_200 : i32 to index
      %swap3A_202 = tpu.vector_load %arg5[%swap3A_201] {strides = array<i32>} : memref<1088xi32, #tpu.memory_space<vmem>>, vector<16xi32>,
      %swap3A_203 = vector.shape_cast %swap3A_202 : vector<16xi32> to vector<16xi32>
      %swap3A_204 = vector.shape_cast %select_n3A : vector<16xi32> to vector<16xi32>
      tpu.vector_store %arg5[%swap3A_201], %swap3A_204 {strides = array<i32>} : memref<1088xi32, #tpu.memory_space<vmem>>, vector<16xi32>,
      %scan3A_205 = arith.constant 0 : i32
      scf.yield %scan3A_205 : i32
    }
    %scan3A_9 = arith.constant 64 : i32
    %broadcast_in_dim3A = arith.constant 0 : i32
    %broadcast_in_dim3A_10 = vector.broadcast %broadcast_in_dim3A : i32 to vector<16xi32>
    %swap3A = arith.constant 1024 : index
    %swap3A_11 = tpu.vector_load %arg5[%swap3A] {strides = array<i32>} : memref<1088xi32, #tpu.memory_space<vmem>>, vector<16xi32>,
    %swap3A_12 = vector.shape_cast %swap3A_11 : vector<16xi32> to vector<16xi32>
    %swap3A_13 = vector.shape_cast %broadcast_in_dim3A_10 : vector<16xi32> to vector<16xi32>
    tpu.vector_store %arg5[%swap3A], %swap3A_13 {strides = array<i32>} : memref<1088xi32, #tpu.memory_space<vmem>>, vector<16xi32>,
    %swap3A_14 = arith.constant 1040 : index
    %swap3A_15 = tpu.vector_load %arg5[%swap3A_14] {strides = array<i32>} : memref<1088xi32, #tpu.memory_space<vmem>>, vector<16xi32>,
    %swap3A_16 = vector.shape_cast %swap3A_15 : vector<16xi32> to vector<16xi32>
    %swap3A_17 = vector.shape_cast %broadcast_in_dim3A_10 : vector<16xi32> to vector<16xi32>
    tpu.vector_store %arg5[%swap3A_14], %swap3A_17 {strides = array<i32>} : memref<1088xi32, #tpu.memory_space<vmem>>, vector<16xi32>,
    %swap3A_18 = arith.constant 1056 : index
    %swap3A_19 = tpu.vector_load %arg5[%swap3A_18] {strides = array<i32>} : memref<1088xi32, #tpu.memory_space<vmem>>, vector<16xi32>,
    %swap3A_20 = vector.shape_cast %swap3A_19 : vector<16xi32> to vector<16xi32>
    %swap3A_21 = vector.shape_cast %broadcast_in_dim3A_10 : vector<16xi32> to vector<16xi32>
    tpu.vector_store %arg5[%swap3A_18], %swap3A_21 {strides = array<i32>} : memref<1088xi32, #tpu.memory_space<vmem>>, vector<16xi32>,
    %swap3A_22 = arith.constant 1072 : index
    %swap3A_23 = tpu.vector_load %arg5[%swap3A_22] {strides = array<i32>} : memref<1088xi32, #tpu.memory_space<vmem>>, vector<16xi32>,
    %swap3A_24 = vector.shape_cast %swap3A_23 : vector<16xi32> to vector<16xi32>
    %swap3A_25 = vector.shape_cast %broadcast_in_dim3A_10 : vector<16xi32> to vector<16xi32>
    tpu.vector_store %arg5[%swap3A_22], %swap3A_25 {strides = array<i32>} : memref<1088xi32, #tpu.memory_space<vmem>>, vector<16xi32>,
    %dma_start3A = arith.constant 0 : i32
    %dma_start3A_26 = arith.constant 0 : i32
    %dma_start3A_27 = arith.constant 0 : i32
    %dma_start3A_28 = tpu.memref_slice %arg7[%dma_start3A, %dma_start3A_26, %dma_start3A_27] : memref<3x32x1024xf32, #tpu.memory_space<vmem>> -> memref<1x32x1024xf32, #tpu.memory_space<vmem>>
    %dma_start3A_29 = tpu.memref_squeeze %dma_start3A_28 : memref<1x32x1024xf32, #tpu.memory_space<vmem>> -> memref<32x1024xf32, #tpu.memory_space<vmem>>
    %dma_start3A_30 = arith.constant 0 : i32
    %dma_start3A_31 = tpu.memref_slice %arg5[%dma_start3A_30] : memref<1088xi32, #tpu.memory_space<vmem>> -> memref<32xi32, #tpu.memory_space<vmem>>
    %dma_start3A_32 = arith.constant 0 : i32
    %dma_start3A_33 = arith.constant 0 : i32
    %dma_start3A_34 = tpu.memref_slice %arg2[%dma_start3A_32, %dma_start3A_33] : memref<8194x1024xf32, #tpu.memory_space<hbm>> -> memref<8194x1024xf32, #tpu.memory_space<hbm>>
    tpu.enqueue_indirect_dma source(%dma_start3A_34 : memref<8194x1024xf32, #tpu.memory_space<hbm>>) target(%dma_start3A_29 : memref<32x1024xf32, #tpu.memory_space<vmem>>) offsets(%dma_start3A_31 : memref<32xi32, #tpu.memory_space<vmem>>) semaphore(%arg8 : memref<!tpu.dma_semaphore, #tpu.memory_space<semaphore_mem>>)
    %scan3A_35 = arith.constant 0 : i32
    %scan3A_36 = arith.constant 0 : i32
    %scan3A_37 = arith.constant 10 : i32
    %scan3A_38 = arith.addi %scan3A_36, %scan3A_37 : i32
    %scan3A_39 = arith.constant 1 : i32
    %scan3A_40 = scf.for %scan3A_181 = %scan3A_36 to %scan3A_38 step %scan3A_39 iter_args(%scan3A_182 = %scan3A_35) -> (i32)  : i32 {
      %mul3A_183 = arith.constant 3 : i32
      %mul3A_184 = arith.muli %scan3A_181, %mul3A_183 : i32
      %add3A_185 = arith.constant 0 : i32
      %add3A_186 = arith.addi %mul3A_184, %add3A_185 : i32
      %ge3A = arith.constant 2 : i32
      %ge3A_187 = arith.cmpi sge, %add3A_186, %ge3A : i32
      %convert_element_type3A = arith.extui %ge3A_187 : i1 to i32
      %cond3A = arith.constant 0 : i32
      %cond3A_188 = arith.cmpi ne, %convert_element_type3A, %cond3A : i32
      scf.if %cond3A_188 {
        %sub3A = arith.constant 2 : i32
        %sub3A_328 = arith.subi %add3A_186, %sub3A : i32
        %mul3A_329 = arith.constant 32 : i32
        %mul3A_330 = arith.muli %sub3A_328, %mul3A_329 : i32
        %add3A_331 = arith.addi %mul3A_2, %mul3A_330 : i32
        %dma_wait3A_332 = arith.constant 1 : i32
        %dma_wait3A_333 = arith.constant 0 : i32
        %dma_wait3A_334 = arith.constant 0 : i32
        %dma_wait3A_335 = tpu.memref_slice %arg7[%dma_wait3A_332, %dma_wait3A_333, %dma_wait3A_334] : memref<3x32x1024xf32, #tpu.memory_space<vmem>> -> memref<1x32x1024xf32, #tpu.memory_space<vmem>>
        %dma_wait3A_336 = tpu.memref_squeeze %dma_wait3A_335 : memref<1x32x1024xf32, #tpu.memory_space<vmem>> -> memref<32x1024xf32, #tpu.memory_space<vmem>>
        %dma_wait3A_337 = arith.constant 0 : i32
        %dma_wait3A_338 = tpu.memref_slice %arg4[%add3A_331, %dma_wait3A_337] : memref<32768x1024xf32, #tpu.memory_space<hbm>> -> memref<32x1024xf32, #tpu.memory_space<hbm>>
        %dma_wait3A_339 = arith.constant 0 : i32
        %dma_wait3A_340 = tpu.memref_slice %arg4[%add3A_331, %dma_wait3A_339] : memref<32768x1024xf32, #tpu.memory_space<hbm>> -> memref<32x1024xf32, #tpu.memory_space<hbm>>
        %dma_wait3A_341 = arith.constant 0 : i32
        %dma_wait3A_342 = arith.constant 0 : i32
        %dma_wait3A_343 = tpu.memref_slice %arg7[%dma_wait3A_332, %dma_wait3A_341, %dma_wait3A_342] : memref<3x32x1024xf32, #tpu.memory_space<vmem>> -> memref<1x32x1024xf32, #tpu.memory_space<vmem>>
        %dma_wait3A_344 = tpu.memref_squeeze %dma_wait3A_343 : memref<1x32x1024xf32, #tpu.memory_space<vmem>> -> memref<32x1024xf32, #tpu.memory_space<vmem>>
        tpu.wait_dma2 semaphore(%arg12 : memref<!tpu.dma_semaphore, #tpu.memory_space<semaphore_mem>>) src(%dma_wait3A_344 : memref<32x1024xf32, #tpu.memory_space<vmem>>) dst(%dma_wait3A_340 : memref<32x1024xf32, #tpu.memory_space<hbm>>)
      } else {
      }
      %add3A_189 = arith.constant 1 : i32
      %add3A_190 = arith.addi %add3A_186, %add3A_189 : i32
      %mul3A_191 = arith.constant 32 : i32
      %mul3A_192 = arith.muli %add3A_190, %mul3A_191 : i32
      %dma_start3A_193 = arith.constant 1 : i32
      %dma_start3A_194 = arith.constant 0 : i32
      %dma_start3A_195 = arith.constant 0 : i32
      %dma_start3A_196 = tpu.memref_slice %arg7[%dma_start3A_193, %dma_start3A_194, %dma_start3A_195] : memref<3x32x1024xf32, #tpu.memory_space<vmem>> -> memref<1x32x1024xf32, #tpu.memory_space<vmem>>
      %dma_start3A_197 = tpu.memref_squeeze %dma_start3A_196 : memref<1x32x1024xf32, #tpu.memory_space<vmem>> -> memref<32x1024xf32, #tpu.memory_space<vmem>>
      %dma_start3A_198 = tpu.memref_slice %arg5[%mul3A_192] : memref<1088xi32, #tpu.memory_space<vmem>> -> memref<32xi32, #tpu.memory_space<vmem>>
      %dma_start3A_199 = arith.constant 0 : i32
      %dma_start3A_200 = arith.constant 0 : i32
      %dma_start3A_201 = tpu.memref_slice %arg2[%dma_start3A_199, %dma_start3A_200] : memref<8194x1024xf32, #tpu.memory_space<hbm>> -> memref<8194x1024xf32, #tpu.memory_space<hbm>>
      tpu.enqueue_indirect_dma source(%dma_start3A_201 : memref<8194x1024xf32, #tpu.memory_space<hbm>>) target(%dma_start3A_197 : memref<32x1024xf32, #tpu.memory_space<vmem>>) offsets(%dma_start3A_198 : memref<32xi32, #tpu.memory_space<vmem>>) semaphore(%arg9 : memref<!tpu.dma_semaphore, #tpu.memory_space<semaphore_mem>>)
      %mul3A_202 = arith.constant 32 : i32
      %mul3A_203 = arith.muli %add3A_186, %mul3A_202 : i32
      %dma_wait3A_204 = arith.constant 0 : i32
      %dma_wait3A_205 = arith.constant 0 : i32
      %dma_wait3A_206 = arith.constant 0 : i32
      %dma_wait3A_207 = tpu.memref_slice %arg7[%dma_wait3A_204, %dma_wait3A_205, %dma_wait3A_206] : memref<3x32x1024xf32, #tpu.memory_space<vmem>> -> memref<1x32x1024xf32, #tpu.memory_space<vmem>>
      %dma_wait3A_208 = tpu.memref_squeeze %dma_wait3A_207 : memref<1x32x1024xf32, #tpu.memory_space<vmem>> -> memref<32x1024xf32, #tpu.memory_space<vmem>>
      %dma_wait3A_209 = tpu.memref_slice %arg5[%mul3A_203] : memref<1088xi32, #tpu.memory_space<vmem>> -> memref<32xi32, #tpu.memory_space<vmem>>
      %dma_wait3A_210 = arith.constant 0 : i32
      %dma_wait3A_211 = arith.constant 0 : i32
      %dma_wait3A_212 = tpu.memref_slice %arg2[%dma_wait3A_210, %dma_wait3A_211] : memref<8194x1024xf32, #tpu.memory_space<hbm>> -> memref<8194x1024xf32, #tpu.memory_space<hbm>>
      tpu.wait_indirect_dma semaphore(%arg8 : memref<!tpu.dma_semaphore, #tpu.memory_space<semaphore_mem>>) src(%dma_wait3A_212 : memref<8194x1024xf32, #tpu.memory_space<hbm>>) dst(%dma_wait3A_208 : memref<32x1024xf32, #tpu.memory_space<vmem>>)
      %mul3A_213 = arith.constant 32 : i32
      %mul3A_214 = arith.muli %add3A_186, %mul3A_213 : i32
      %add3A_215 = arith.addi %mul3A_2, %mul3A_214 : i32
      %dma_start3A_216 = arith.constant 0 : i32
      %dma_start3A_217 = arith.constant 0 : i32
      %dma_start3A_218 = arith.constant 0 : i32
      %dma_start3A_219 = tpu.memref_slice %arg7[%dma_start3A_216, %dma_start3A_217, %dma_start3A_218] : memref<3x32x1024xf32, #tpu.memory_space<vmem>> -> memref<1x32x1024xf32, #tpu.memory_space<vmem>>
      %dma_start3A_220 = tpu.memref_squeeze %dma_start3A_219 : memref<1x32x1024xf32, #tpu.memory_space<vmem>> -> memref<32x1024xf32, #tpu.memory_space<vmem>>
      %dma_start3A_221 = arith.constant 0 : i32
      %dma_start3A_222 = tpu.memref_slice %arg4[%add3A_215, %dma_start3A_221] : memref<32768x1024xf32, #tpu.memory_space<hbm>> -> memref<32x1024xf32, #tpu.memory_space<hbm>>
      %dma_start3A_223 = arith.constant 0 : i32
      %dma_start3A_224 = tpu.memref_slice %arg4[%add3A_215, %dma_start3A_223] : memref<32768x1024xf32, #tpu.memory_space<hbm>> -> memref<32x1024xf32, #tpu.memory_space<hbm>>
      %dma_start3A_225 = arith.constant 0 : i32
      %dma_start3A_226 = arith.constant 0 : i32
      %dma_start3A_227 = tpu.memref_slice %arg7[%dma_start3A_216, %dma_start3A_225, %dma_start3A_226] : memref<3x32x1024xf32, #tpu.memory_space<vmem>> -> memref<1x32x1024xf32, #tpu.memory_space<vmem>>
      %dma_start3A_228 = tpu.memref_squeeze %dma_start3A_227 : memref<1x32x1024xf32, #tpu.memory_space<vmem>> -> memref<32x1024xf32, #tpu.memory_space<vmem>>
      tpu.enqueue_dma source(%dma_start3A_228 : memref<32x1024xf32, #tpu.memory_space<vmem>>) target(%dma_start3A_224 : memref<32x1024xf32, #tpu.memory_space<hbm>>) target_semaphore(%arg11 : memref<!tpu.dma_semaphore, #tpu.memory_space<semaphore_mem>>)
      %mul3A_229 = arith.constant 3 : i32
      %mul3A_230 = arith.muli %scan3A_181, %mul3A_229 : i32
      %add3A_231 = arith.constant 1 : i32
      %add3A_232 = arith.addi %mul3A_230, %add3A_231 : i32
      %ge3A_233 = arith.constant 2 : i32
      %ge3A_234 = arith.cmpi sge, %add3A_232, %ge3A_233 : i32
      %convert_element_type3A_235 = arith.extui %ge3A_234 : i1 to i32
      %cond3A_236 = arith.constant 0 : i32
      %cond3A_237 = arith.cmpi ne, %convert_element_type3A_235, %cond3A_236 : i32
      scf.if %cond3A_237 {
        %sub3A = arith.constant 2 : i32
        %sub3A_328 = arith.subi %add3A_232, %sub3A : i32
        %mul3A_329 = arith.constant 32 : i32
        %mul3A_330 = arith.muli %sub3A_328, %mul3A_329 : i32
        %add3A_331 = arith.addi %mul3A_2, %mul3A_330 : i32
        %dma_wait3A_332 = arith.constant 2 : i32
        %dma_wait3A_333 = arith.constant 0 : i32
        %dma_wait3A_334 = arith.constant 0 : i32
        %dma_wait3A_335 = tpu.memref_slice %arg7[%dma_wait3A_332, %dma_wait3A_333, %dma_wait3A_334] : memref<3x32x1024xf32, #tpu.memory_space<vmem>> -> memref<1x32x1024xf32, #tpu.memory_space<vmem>>
        %dma_wait3A_336 = tpu.memref_squeeze %dma_wait3A_335 : memref<1x32x1024xf32, #tpu.memory_space<vmem>> -> memref<32x1024xf32, #tpu.memory_space<vmem>>
        %dma_wait3A_337 = arith.constant 0 : i32
        %dma_wait3A_338 = tpu.memref_slice %arg4[%add3A_331, %dma_wait3A_337] : memref<32768x1024xf32, #tpu.memory_space<hbm>> -> memref<32x1024xf32, #tpu.memory_space<hbm>>
        %dma_wait3A_339 = arith.constant 0 : i32
        %dma_wait3A_340 = tpu.memref_slice %arg4[%add3A_331, %dma_wait3A_339] : memref<32768x1024xf32, #tpu.memory_space<hbm>> -> memref<32x1024xf32, #tpu.memory_space<hbm>>
        %dma_wait3A_341 = arith.constant 0 : i32
        %dma_wait3A_342 = arith.constant 0 : i32
        %dma_wait3A_343 = tpu.memref_slice %arg7[%dma_wait3A_332, %dma_wait3A_341, %dma_wait3A_342] : memref<3x32x1024xf32, #tpu.memory_space<vmem>> -> memref<1x32x1024xf32, #tpu.memory_space<vmem>>
        %dma_wait3A_344 = tpu.memref_squeeze %dma_wait3A_343 : memref<1x32x1024xf32, #tpu.memory_space<vmem>> -> memref<32x1024xf32, #tpu.memory_space<vmem>>
        tpu.wait_dma2 semaphore(%arg13 : memref<!tpu.dma_semaphore, #tpu.memory_space<semaphore_mem>>) src(%dma_wait3A_344 : memref<32x1024xf32, #tpu.memory_space<vmem>>) dst(%dma_wait3A_340 : memref<32x1024xf32, #tpu.memory_space<hbm>>)
      } else {
      }
      %add3A_238 = arith.constant 1 : i32
      %add3A_239 = arith.addi %add3A_232, %add3A_238 : i32
      %mul3A_240 = arith.constant 32 : i32
      %mul3A_241 = arith.muli %add3A_239, %mul3A_240 : i32
      %dma_start3A_242 = arith.constant 2 : i32
      %dma_start3A_243 = arith.constant 0 : i32
      %dma_start3A_244 = arith.constant 0 : i32
      %dma_start3A_245 = tpu.memref_slice %arg7[%dma_start3A_242, %dma_start3A_243, %dma_start3A_244] : memref<3x32x1024xf32, #tpu.memory_space<vmem>> -> memref<1x32x1024xf32, #tpu.memory_space<vmem>>
      %dma_start3A_246 = tpu.memref_squeeze %dma_start3A_245 : memref<1x32x1024xf32, #tpu.memory_space<vmem>> -> memref<32x1024xf32, #tpu.memory_space<vmem>>
      %dma_start3A_247 = tpu.memref_slice %arg5[%mul3A_241] : memref<1088xi32, #tpu.memory_space<vmem>> -> memref<32xi32, #tpu.memory_space<vmem>>
      %dma_start3A_248 = arith.constant 0 : i32
      %dma_start3A_249 = arith.constant 0 : i32
      %dma_start3A_250 = tpu.memref_slice %arg2[%dma_start3A_248, %dma_start3A_249] : memref<8194x1024xf32, #tpu.memory_space<hbm>> -> memref<8194x1024xf32, #tpu.memory_space<hbm>>
      tpu.enqueue_indirect_dma source(%dma_start3A_250 : memref<8194x1024xf32, #tpu.memory_space<hbm>>) target(%dma_start3A_246 : memref<32x1024xf32, #tpu.memory_space<vmem>>) offsets(%dma_start3A_247 : memref<32xi32, #tpu.memory_space<vmem>>) semaphore(%arg10 : memref<!tpu.dma_semaphore, #tpu.memory_space<semaphore_mem>>)
      %mul3A_251 = arith.constant 32 : i32
      %mul3A_252 = arith.muli %add3A_232, %mul3A_251 : i32
      %dma_wait3A_253 = arith.constant 1 : i32
      %dma_wait3A_254 = arith.constant 0 : i32
      %dma_wait3A_255 = arith.constant 0 : i32
      %dma_wait3A_256 = tpu.memref_slice %arg7[%dma_wait3A_253, %dma_wait3A_254, %dma_wait3A_255] : memref<3x32x1024xf32, #tpu.memory_space<vmem>> -> memref<1x32x1024xf32, #tpu.memory_space<vmem>>
      %dma_wait3A_257 = tpu.memref_squeeze %dma_wait3A_256 : memref<1x32x1024xf32, #tpu.memory_space<vmem>> -> memref<32x1024xf32, #tpu.memory_space<vmem>>
      %dma_wait3A_258 = tpu.memref_slice %arg5[%mul3A_252] : memref<1088xi32, #tpu.memory_space<vmem>> -> memref<32xi32, #tpu.memory_space<vmem>>
      %dma_wait3A_259 = arith.constant 0 : i32
      %dma_wait3A_260 = arith.constant 0 : i32
      %dma_wait3A_261 = tpu.memref_slice %arg2[%dma_wait3A_259, %dma_wait3A_260] : memref<8194x1024xf32, #tpu.memory_space<hbm>> -> memref<8194x1024xf32, #tpu.memory_space<hbm>>
      tpu.wait_indirect_dma semaphore(%arg9 : memref<!tpu.dma_semaphore, #tpu.memory_space<semaphore_mem>>) src(%dma_wait3A_261 : memref<8194x1024xf32, #tpu.memory_space<hbm>>) dst(%dma_wait3A_257 : memref<32x1024xf32, #tpu.memory_space<vmem>>)
      %mul3A_262 = arith.constant 32 : i32
      %mul3A_263 = arith.muli %add3A_232, %mul3A_262 : i32
      %add3A_264 = arith.addi %mul3A_2, %mul3A_263 : i32
      %dma_start3A_265 = arith.constant 1 : i32
      %dma_start3A_266 = arith.constant 0 : i32
      %dma_start3A_267 = arith.constant 0 : i32
      %dma_start3A_268 = tpu.memref_slice %arg7[%dma_start3A_265, %dma_start3A_266, %dma_start3A_267] : memref<3x32x1024xf32, #tpu.memory_space<vmem>> -> memref<1x32x1024xf32, #tpu.memory_space<vmem>>
      %dma_start3A_269 = tpu.memref_squeeze %dma_start3A_268 : memref<1x32x1024xf32, #tpu.memory_space<vmem>> -> memref<32x1024xf32, #tpu.memory_space<vmem>>
      %dma_start3A_270 = arith.constant 0 : i32
      %dma_start3A_271 = tpu.memref_slice %arg4[%add3A_264, %dma_start3A_270] : memref<32768x1024xf32, #tpu.memory_space<hbm>> -> memref<32x1024xf32, #tpu.memory_space<hbm>>
      %dma_start3A_272 = arith.constant 0 : i32
      %dma_start3A_273 = tpu.memref_slice %arg4[%add3A_264, %dma_start3A_272] : memref<32768x1024xf32, #tpu.memory_space<hbm>> -> memref<32x1024xf32, #tpu.memory_space<hbm>>
      %dma_start3A_274 = arith.constant 0 : i32
      %dma_start3A_275 = arith.constant 0 : i32
      %dma_start3A_276 = tpu.memref_slice %arg7[%dma_start3A_265, %dma_start3A_274, %dma_start3A_275] : memref<3x32x1024xf32, #tpu.memory_space<vmem>> -> memref<1x32x1024xf32, #tpu.memory_space<vmem>>
      %dma_start3A_277 = tpu.memref_squeeze %dma_start3A_276 : memref<1x32x1024xf32, #tpu.memory_space<vmem>> -> memref<32x1024xf32, #tpu.memory_space<vmem>>
      tpu.enqueue_dma source(%dma_start3A_277 : memref<32x1024xf32, #tpu.memory_space<vmem>>) target(%dma_start3A_273 : memref<32x1024xf32, #tpu.memory_space<hbm>>) target_semaphore(%arg12 : memref<!tpu.dma_semaphore, #tpu.memory_space<semaphore_mem>>)
      %mul3A_278 = arith.constant 3 : i32
      %mul3A_279 = arith.muli %scan3A_181, %mul3A_278 : i32
      %add3A_280 = arith.constant 2 : i32
      %add3A_281 = arith.addi %mul3A_279, %add3A_280 : i32
      %ge3A_282 = arith.constant 2 : i32
      %ge3A_283 = arith.cmpi sge, %add3A_281, %ge3A_282 : i32
      %convert_element_type3A_284 = arith.extui %ge3A_283 : i1 to i32
      %cond3A_285 = arith.constant 0 : i32
      %cond3A_286 = arith.cmpi ne, %convert_element_type3A_284, %cond3A_285 : i32
      scf.if %cond3A_286 {
        %sub3A = arith.constant 2 : i32
        %sub3A_328 = arith.subi %add3A_281, %sub3A : i32
        %mul3A_329 = arith.constant 32 : i32
        %mul3A_330 = arith.muli %sub3A_328, %mul3A_329 : i32
        %add3A_331 = arith.addi %mul3A_2, %mul3A_330 : i32
        %dma_wait3A_332 = arith.constant 0 : i32
        %dma_wait3A_333 = arith.constant 0 : i32
        %dma_wait3A_334 = arith.constant 0 : i32
        %dma_wait3A_335 = tpu.memref_slice %arg7[%dma_wait3A_332, %dma_wait3A_333, %dma_wait3A_334] : memref<3x32x1024xf32, #tpu.memory_space<vmem>> -> memref<1x32x1024xf32, #tpu.memory_space<vmem>>
        %dma_wait3A_336 = tpu.memref_squeeze %dma_wait3A_335 : memref<1x32x1024xf32, #tpu.memory_space<vmem>> -> memref<32x1024xf32, #tpu.memory_space<vmem>>
        %dma_wait3A_337 = arith.constant 0 : i32
        %dma_wait3A_338 = tpu.memref_slice %arg4[%add3A_331, %dma_wait3A_337] : memref<32768x1024xf32, #tpu.memory_space<hbm>> -> memref<32x1024xf32, #tpu.memory_space<hbm>>
        %dma_wait3A_339 = arith.constant 0 : i32
        %dma_wait3A_340 = tpu.memref_slice %arg4[%add3A_331, %dma_wait3A_339] : memref<32768x1024xf32, #tpu.memory_space<hbm>> -> memref<32x1024xf32, #tpu.memory_space<hbm>>
        %dma_wait3A_341 = arith.constant 0 : i32
        %dma_wait3A_342 = arith.constant 0 : i32
        %dma_wait3A_343 = tpu.memref_slice %arg7[%dma_wait3A_332, %dma_wait3A_341, %dma_wait3A_342] : memref<3x32x1024xf32, #tpu.memory_space<vmem>> -> memref<1x32x1024xf32, #tpu.memory_space<vmem>>
        %dma_wait3A_344 = tpu.memref_squeeze %dma_wait3A_343 : memref<1x32x1024xf32, #tpu.memory_space<vmem>> -> memref<32x1024xf32, #tpu.memory_space<vmem>>
        tpu.wait_dma2 semaphore(%arg11 : memref<!tpu.dma_semaphore, #tpu.memory_space<semaphore_mem>>) src(%dma_wait3A_344 : memref<32x1024xf32, #tpu.memory_space<vmem>>) dst(%dma_wait3A_340 : memref<32x1024xf32, #tpu.memory_space<hbm>>)
      } else {
      }
      %add3A_287 = arith.constant 1 : i32
      %add3A_288 = arith.addi %add3A_281, %add3A_287 : i32
      %mul3A_289 = arith.constant 32 : i32
      %mul3A_290 = arith.muli %add3A_288, %mul3A_289 : i32
      %dma_start3A_291 = arith.constant 0 : i32
      %dma_start3A_292 = arith.constant 0 : i32
      %dma_start3A_293 = arith.constant 0 : i32
      %dma_start3A_294 = tpu.memref_slice %arg7[%dma_start3A_291, %dma_start3A_292, %dma_start3A_293] : memref<3x32x1024xf32, #tpu.memory_space<vmem>> -> memref<1x32x1024xf32, #tpu.memory_space<vmem>>
      %dma_start3A_295 = tpu.memref_squeeze %dma_start3A_294 : memref<1x32x1024xf32, #tpu.memory_space<vmem>> -> memref<32x1024xf32, #tpu.memory_space<vmem>>
      %dma_start3A_296 = tpu.memref_slice %arg5[%mul3A_290] : memref<1088xi32, #tpu.memory_space<vmem>> -> memref<32xi32, #tpu.memory_space<vmem>>
      %dma_start3A_297 = arith.constant 0 : i32
      %dma_start3A_298 = arith.constant 0 : i32
      %dma_start3A_299 = tpu.memref_slice %arg2[%dma_start3A_297, %dma_start3A_298] : memref<8194x1024xf32, #tpu.memory_space<hbm>> -> memref<8194x1024xf32, #tpu.memory_space<hbm>>
      tpu.enqueue_indirect_dma source(%dma_start3A_299 : memref<8194x1024xf32, #tpu.memory_space<hbm>>) target(%dma_start3A_295 : memref<32x1024xf32, #tpu.memory_space<vmem>>) offsets(%dma_start3A_296 : memref<32xi32, #tpu.memory_space<vmem>>) semaphore(%arg8 : memref<!tpu.dma_semaphore, #tpu.memory_space<semaphore_mem>>)
      %mul3A_300 = arith.constant 32 : i32
      %mul3A_301 = arith.muli %add3A_281, %mul3A_300 : i32
      %dma_wait3A_302 = arith.constant 2 : i32
      %dma_wait3A_303 = arith.constant 0 : i32
      %dma_wait3A_304 = arith.constant 0 : i32
      %dma_wait3A_305 = tpu.memref_slice %arg7[%dma_wait3A_302, %dma_wait3A_303, %dma_wait3A_304] : memref<3x32x1024xf32, #tpu.memory_space<vmem>> -> memref<1x32x1024xf32, #tpu.memory_space<vmem>>
      %dma_wait3A_306 = tpu.memref_squeeze %dma_wait3A_305 : memref<1x32x1024xf32, #tpu.memory_space<vmem>> -> memref<32x1024xf32, #tpu.memory_space<vmem>>
      %dma_wait3A_307 = tpu.memref_slice %arg5[%mul3A_301] : memref<1088xi32, #tpu.memory_space<vmem>> -> memref<32xi32, #tpu.memory_space<vmem>>
      %dma_wait3A_308 = arith.constant 0 : i32
      %dma_wait3A_309 = arith.constant 0 : i32
      %dma_wait3A_310 = tpu.memref_slice %arg2[%dma_wait3A_308, %dma_wait3A_309] : memref<8194x1024xf32, #tpu.memory_space<hbm>> -> memref<8194x1024xf32, #tpu.memory_space<hbm>>
      tpu.wait_indirect_dma semaphore(%arg10 : memref<!tpu.dma_semaphore, #tpu.memory_space<semaphore_mem>>) src(%dma_wait3A_310 : memref<8194x1024xf32, #tpu.memory_space<hbm>>) dst(%dma_wait3A_306 : memref<32x1024xf32, #tpu.memory_space<vmem>>)
      %mul3A_311 = arith.constant 32 : i32
      %mul3A_312 = arith.muli %add3A_281, %mul3A_311 : i32
      %add3A_313 = arith.addi %mul3A_2, %mul3A_312 : i32
      %dma_start3A_314 = arith.constant 2 : i32
      %dma_start3A_315 = arith.constant 0 : i32
      %dma_start3A_316 = arith.constant 0 : i32
      %dma_start3A_317 = tpu.memref_slice %arg7[%dma_start3A_314, %dma_start3A_315, %dma_start3A_316] : memref<3x32x1024xf32, #tpu.memory_space<vmem>> -> memref<1x32x1024xf32, #tpu.memory_space<vmem>>
      %dma_start3A_318 = tpu.memref_squeeze %dma_start3A_317 : memref<1x32x1024xf32, #tpu.memory_space<vmem>> -> memref<32x1024xf32, #tpu.memory_space<vmem>>
      %dma_start3A_319 = arith.constant 0 : i32
      %dma_start3A_320 = tpu.memref_slice %arg4[%add3A_313, %dma_start3A_319] : memref<32768x1024xf32, #tpu.memory_space<hbm>> -> memref<32x1024xf32, #tpu.memory_space<hbm>>
      %dma_start3A_321 = arith.constant 0 : i32
      %dma_start3A_322 = tpu.memref_slice %arg4[%add3A_313, %dma_start3A_321] : memref<32768x1024xf32, #tpu.memory_space<hbm>> -> memref<32x1024xf32, #tpu.memory_space<hbm>>
      %dma_start3A_323 = arith.constant 0 : i32
      %dma_start3A_324 = arith.constant 0 : i32
      %dma_start3A_325 = tpu.memref_slice %arg7[%dma_start3A_314, %dma_start3A_323, %dma_start3A_324] : memref<3x32x1024xf32, #tpu.memory_space<vmem>> -> memref<1x32x1024xf32, #tpu.memory_space<vmem>>
      %dma_start3A_326 = tpu.memref_squeeze %dma_start3A_325 : memref<1x32x1024xf32, #tpu.memory_space<vmem>> -> memref<32x1024xf32, #tpu.memory_space<vmem>>
      tpu.enqueue_dma source(%dma_start3A_326 : memref<32x1024xf32, #tpu.memory_space<vmem>>) target(%dma_start3A_322 : memref<32x1024xf32, #tpu.memory_space<hbm>>) target_semaphore(%arg13 : memref<!tpu.dma_semaphore, #tpu.memory_space<semaphore_mem>>)
      %scan3A_327 = arith.constant 0 : i32
      scf.yield %scan3A_327 : i32
    }
    %scan3A_41 = arith.constant 10 : i32
    %add3A_42 = arith.constant 896 : i32
    %add3A_43 = arith.addi %mul3A_2, %add3A_42 : i32
    %dma_wait3A = arith.constant 1 : i32
    %dma_wait3A_44 = arith.constant 0 : i32
    %dma_wait3A_45 = arith.constant 0 : i32
    %dma_wait3A_46 = tpu.memref_slice %arg7[%dma_wait3A, %dma_wait3A_44, %dma_wait3A_45] : memref<3x32x1024xf32, #tpu.memory_space<vmem>> -> memref<1x32x1024xf32, #tpu.memory_space<vmem>>
    %dma_wait3A_47 = tpu.memref_squeeze %dma_wait3A_46 : memref<1x32x1024xf32, #tpu.memory_space<vmem>> -> memref<32x1024xf32, #tpu.memory_space<vmem>>
    %dma_wait3A_48 = arith.constant 0 : i32
    %dma_wait3A_49 = tpu.memref_slice %arg4[%add3A_43, %dma_wait3A_48] : memref<32768x1024xf32, #tpu.memory_space<hbm>> -> memref<32x1024xf32, #tpu.memory_space<hbm>>
    %dma_wait3A_50 = arith.constant 0 : i32
    %dma_wait3A_51 = tpu.memref_slice %arg4[%add3A_43, %dma_wait3A_50] : memref<32768x1024xf32, #tpu.memory_space<hbm>> -> memref<32x1024xf32, #tpu.memory_space<hbm>>
    %dma_wait3A_52 = arith.constant 0 : i32
    %dma_wait3A_53 = arith.constant 0 : i32
    %dma_wait3A_54 = tpu.memref_slice %arg7[%dma_wait3A, %dma_wait3A_52, %dma_wait3A_53] : memref<3x32x1024xf32, #tpu.memory_space<vmem>> -> memref<1x32x1024xf32, #tpu.memory_space<vmem>>
    %dma_wait3A_55 = tpu.memref_squeeze %dma_wait3A_54 : memref<1x32x1024xf32, #tpu.memory_space<vmem>> -> memref<32x1024xf32, #tpu.memory_space<vmem>>
    tpu.wait_dma2 semaphore(%arg12 : memref<!tpu.dma_semaphore, #tpu.memory_space<semaphore_mem>>) src(%dma_wait3A_55 : memref<32x1024xf32, #tpu.memory_space<vmem>>) dst(%dma_wait3A_51 : memref<32x1024xf32, #tpu.memory_space<hbm>>)
    %dma_start3A_56 = arith.constant 1 : i32
    %dma_start3A_57 = arith.constant 0 : i32
    %dma_start3A_58 = arith.constant 0 : i32
    %dma_start3A_59 = tpu.memref_slice %arg7[%dma_start3A_56, %dma_start3A_57, %dma_start3A_58] : memref<3x32x1024xf32, #tpu.memory_space<vmem>> -> memref<1x32x1024xf32, #tpu.memory_space<vmem>>
    %dma_start3A_60 = tpu.memref_squeeze %dma_start3A_59 : memref<1x32x1024xf32, #tpu.memory_space<vmem>> -> memref<32x1024xf32, #tpu.memory_space<vmem>>
    %dma_start3A_61 = arith.constant 992 : i32
    %dma_start3A_62 = tpu.memref_slice %arg5[%dma_start3A_61] : memref<1088xi32, #tpu.memory_space<vmem>> -> memref<32xi32, #tpu.memory_space<vmem>>
    %dma_start3A_63 = arith.constant 0 : i32
    %dma_start3A_64 = arith.constant 0 : i32
    %dma_start3A_65 = tpu.memref_slice %arg2[%dma_start3A_63, %dma_start3A_64] : memref<8194x1024xf32, #tpu.memory_space<hbm>> -> memref<8194x1024xf32, #tpu.memory_space<hbm>>
    tpu.enqueue_indirect_dma source(%dma_start3A_65 : memref<8194x1024xf32, #tpu.memory_space<hbm>>) target(%dma_start3A_60 : memref<32x1024xf32, #tpu.memory_space<vmem>>) offsets(%dma_start3A_62 : memref<32xi32, #tpu.memory_space<vmem>>) semaphore(%arg9 : memref<!tpu.dma_semaphore, #tpu.memory_space<semaphore_mem>>)
    %dma_wait3A_66 = arith.constant 0 : i32
    %dma_wait3A_67 = arith.constant 0 : i32
    %dma_wait3A_68 = arith.constant 0 : i32
    %dma_wait3A_69 = tpu.memref_slice %arg7[%dma_wait3A_66, %dma_wait3A_67, %dma_wait3A_68] : memref<3x32x1024xf32, #tpu.memory_space<vmem>> -> memref<1x32x1024xf32, #tpu.memory_space<vmem>>
    %dma_wait3A_70 = tpu.memref_squeeze %dma_wait3A_69 : memref<1x32x1024xf32, #tpu.memory_space<vmem>> -> memref<32x1024xf32, #tpu.memory_space<vmem>>
    %dma_wait3A_71 = arith.constant 960 : i32
    %dma_wait3A_72 = tpu.memref_slice %arg5[%dma_wait3A_71] : memref<1088xi32, #tpu.memory_space<vmem>> -> memref<32xi32, #tpu.memory_space<vmem>>
    %dma_wait3A_73 = arith.constant 0 : i32
    %dma_wait3A_74 = arith.constant 0 : i32
    %dma_wait3A_75 = tpu.memref_slice %arg2[%dma_wait3A_73, %dma_wait3A_74] : memref<8194x1024xf32, #tpu.memory_space<hbm>> -> memref<8194x1024xf32, #tpu.memory_space<hbm>>
    tpu.wait_indirect_dma semaphore(%arg8 : memref<!tpu.dma_semaphore, #tpu.memory_space<semaphore_mem>>) src(%dma_wait3A_75 : memref<8194x1024xf32, #tpu.memory_space<hbm>>) dst(%dma_wait3A_70 : memref<32x1024xf32, #tpu.memory_space<vmem>>)
    %add3A_76 = arith.constant 960 : i32
    %add3A_77 = arith.addi %mul3A_2, %add3A_76 : i32
    %dma_start3A_78 = arith.constant 0 : i32
    %dma_start3A_79 = arith.constant 0 : i32
    %dma_start3A_80 = arith.constant 0 : i32
    %dma_start3A_81 = tpu.memref_slice %arg7[%dma_start3A_78, %dma_start3A_79, %dma_start3A_80] : memref<3x32x1024xf32, #tpu.memory_space<vmem>> -> memref<1x32x1024xf32, #tpu.memory_space<vmem>>
    %dma_start3A_82 = tpu.memref_squeeze %dma_start3A_81 : memref<1x32x1024xf32, #tpu.memory_space<vmem>> -> memref<32x1024xf32, #tpu.memory_space<vmem>>
    %dma_start3A_83 = arith.constant 0 : i32
    %dma_start3A_84 = tpu.memref_slice %arg4[%add3A_77, %dma_start3A_83] : memref<32768x1024xf32, #tpu.memory_space<hbm>> -> memref<32x1024xf32, #tpu.memory_space<hbm>>
    %dma_start3A_85 = arith.constant 0 : i32
    %dma_start3A_86 = tpu.memref_slice %arg4[%add3A_77, %dma_start3A_85] : memref<32768x1024xf32, #tpu.memory_space<hbm>> -> memref<32x1024xf32, #tpu.memory_space<hbm>>
    %dma_start3A_87 = arith.constant 0 : i32
    %dma_start3A_88 = arith.constant 0 : i32
    %dma_start3A_89 = tpu.memref_slice %arg7[%dma_start3A_78, %dma_start3A_87, %dma_start3A_88] : memref<3x32x1024xf32, #tpu.memory_space<vmem>> -> memref<1x32x1024xf32, #tpu.memory_space<vmem>>
    %dma_start3A_90 = tpu.memref_squeeze %dma_start3A_89 : memref<1x32x1024xf32, #tpu.memory_space<vmem>> -> memref<32x1024xf32, #tpu.memory_space<vmem>>
    tpu.enqueue_dma source(%dma_start3A_90 : memref<32x1024xf32, #tpu.memory_space<vmem>>) target(%dma_start3A_86 : memref<32x1024xf32, #tpu.memory_space<hbm>>) target_semaphore(%arg11 : memref<!tpu.dma_semaphore, #tpu.memory_space<semaphore_mem>>)
    %add3A_91 = arith.constant 928 : i32
    %add3A_92 = arith.addi %mul3A_2, %add3A_91 : i32
    %dma_wait3A_93 = arith.constant 2 : i32
    %dma_wait3A_94 = arith.constant 0 : i32
    %dma_wait3A_95 = arith.constant 0 : i32
    %dma_wait3A_96 = tpu.memref_slice %arg7[%dma_wait3A_93, %dma_wait3A_94, %dma_wait3A_95] : memref<3x32x1024xf32, #tpu.memory_space<vmem>> -> memref<1x32x1024xf32, #tpu.memory_space<vmem>>
    %dma_wait3A_97 = tpu.memref_squeeze %dma_wait3A_96 : memref<1x32x1024xf32, #tpu.memory_space<vmem>> -> memref<32x1024xf32, #tpu.memory_space<vmem>>
    %dma_wait3A_98 = arith.constant 0 : i32
    %dma_wait3A_99 = tpu.memref_slice %arg4[%add3A_92, %dma_wait3A_98] : memref<32768x1024xf32, #tpu.memory_space<hbm>> -> memref<32x1024xf32, #tpu.memory_space<hbm>>
    %dma_wait3A_100 = arith.constant 0 : i32
    %dma_wait3A_101 = tpu.memref_slice %arg4[%add3A_92, %dma_wait3A_100] : memref<32768x1024xf32, #tpu.memory_space<hbm>> -> memref<32x1024xf32, #tpu.memory_space<hbm>>
    %dma_wait3A_102 = arith.constant 0 : i32
    %dma_wait3A_103 = arith.constant 0 : i32
    %dma_wait3A_104 = tpu.memref_slice %arg7[%dma_wait3A_93, %dma_wait3A_102, %dma_wait3A_103] : memref<3x32x1024xf32, #tpu.memory_space<vmem>> -> memref<1x32x1024xf32, #tpu.memory_space<vmem>>
    %dma_wait3A_105 = tpu.memref_squeeze %dma_wait3A_104 : memref<1x32x1024xf32, #tpu.memory_space<vmem>> -> memref<32x1024xf32, #tpu.memory_space<vmem>>
    tpu.wait_dma2 semaphore(%arg13 : memref<!tpu.dma_semaphore, #tpu.memory_space<semaphore_mem>>) src(%dma_wait3A_105 : memref<32x1024xf32, #tpu.memory_space<vmem>>) dst(%dma_wait3A_101 : memref<32x1024xf32, #tpu.memory_space<hbm>>)
    %dma_start3A_106 = arith.constant 2 : i32
    %dma_start3A_107 = arith.constant 0 : i32
    %dma_start3A_108 = arith.constant 0 : i32
    %dma_start3A_109 = tpu.memref_slice %arg7[%dma_start3A_106, %dma_start3A_107, %dma_start3A_108] : memref<3x32x1024xf32, #tpu.memory_space<vmem>> -> memref<1x32x1024xf32, #tpu.memory_space<vmem>>
    %dma_start3A_110 = tpu.memref_squeeze %dma_start3A_109 : memref<1x32x1024xf32, #tpu.memory_space<vmem>> -> memref<32x1024xf32, #tpu.memory_space<vmem>>
    %dma_start3A_111 = arith.constant 1024 : i32
    %dma_start3A_112 = tpu.memref_slice %arg5[%dma_start3A_111] : memref<1088xi32, #tpu.memory_space<vmem>> -> memref<32xi32, #tpu.memory_space<vmem>>
    %dma_start3A_113 = arith.constant 0 : i32
    %dma_start3A_114 = arith.constant 0 : i32
    %dma_start3A_115 = tpu.memref_slice %arg2[%dma_start3A_113, %dma_start3A_114] : memref<8194x1024xf32, #tpu.memory_space<hbm>> -> memref<8194x1024xf32, #tpu.memory_space<hbm>>
    tpu.enqueue_indirect_dma source(%dma_start3A_115 : memref<8194x1024xf32, #tpu.memory_space<hbm>>) target(%dma_start3A_110 : memref<32x1024xf32, #tpu.memory_space<vmem>>) offsets(%dma_start3A_112 : memref<32xi32, #tpu.memory_space<vmem>>) semaphore(%arg10 : memref<!tpu.dma_semaphore, #tpu.memory_space<semaphore_mem>>)
    %dma_wait3A_116 = arith.constant 1 : i32
    %dma_wait3A_117 = arith.constant 0 : i32
    %dma_wait3A_118 = arith.constant 0 : i32
    %dma_wait3A_119 = tpu.memref_slice %arg7[%dma_wait3A_116, %dma_wait3A_117, %dma_wait3A_118] : memref<3x32x1024xf32, #tpu.memory_space<vmem>> -> memref<1x32x1024xf32, #tpu.memory_space<vmem>>
    %dma_wait3A_120 = tpu.memref_squeeze %dma_wait3A_119 : memref<1x32x1024xf32, #tpu.memory_space<vmem>> -> memref<32x1024xf32, #tpu.memory_space<vmem>>
    %dma_wait3A_121 = arith.constant 992 : i32
    %dma_wait3A_122 = tpu.memref_slice %arg5[%dma_wait3A_121] : memref<1088xi32, #tpu.memory_space<vmem>> -> memref<32xi32, #tpu.memory_space<vmem>>
    %dma_wait3A_123 = arith.constant 0 : i32
    %dma_wait3A_124 = arith.constant 0 : i32
    %dma_wait3A_125 = tpu.memref_slice %arg2[%dma_wait3A_123, %dma_wait3A_124] : memref<8194x1024xf32, #tpu.memory_space<hbm>> -> memref<8194x1024xf32, #tpu.memory_space<hbm>>
    tpu.wait_indirect_dma semaphore(%arg9 : memref<!tpu.dma_semaphore, #tpu.memory_space<semaphore_mem>>) src(%dma_wait3A_125 : memref<8194x1024xf32, #tpu.memory_space<hbm>>) dst(%dma_wait3A_120 : memref<32x1024xf32, #tpu.memory_space<vmem>>)
    %add3A_126 = arith.constant 992 : i32
    %add3A_127 = arith.addi %mul3A_2, %add3A_126 : i32
    %dma_start3A_128 = arith.constant 1 : i32
    %dma_start3A_129 = arith.constant 0 : i32
    %dma_start3A_130 = arith.constant 0 : i32
    %dma_start3A_131 = tpu.memref_slice %arg7[%dma_start3A_128, %dma_start3A_129, %dma_start3A_130] : memref<3x32x1024xf32, #tpu.memory_space<vmem>> -> memref<1x32x1024xf32, #tpu.memory_space<vmem>>
    %dma_start3A_132 = tpu.memref_squeeze %dma_start3A_131 : memref<1x32x1024xf32, #tpu.memory_space<vmem>> -> memref<32x1024xf32, #tpu.memory_space<vmem>>
    %dma_start3A_133 = arith.constant 0 : i32
    %dma_start3A_134 = tpu.memref_slice %arg4[%add3A_127, %dma_start3A_133] : memref<32768x1024xf32, #tpu.memory_space<hbm>> -> memref<32x1024xf32, #tpu.memory_space<hbm>>
    %dma_start3A_135 = arith.constant 0 : i32
    %dma_start3A_136 = tpu.memref_slice %arg4[%add3A_127, %dma_start3A_135] : memref<32768x1024xf32, #tpu.memory_space<hbm>> -> memref<32x1024xf32, #tpu.memory_space<hbm>>
    %dma_start3A_137 = arith.constant 0 : i32
    %dma_start3A_138 = arith.constant 0 : i32
    %dma_start3A_139 = tpu.memref_slice %arg7[%dma_start3A_128, %dma_start3A_137, %dma_start3A_138] : memref<3x32x1024xf32, #tpu.memory_space<vmem>> -> memref<1x32x1024xf32, #tpu.memory_space<vmem>>
    %dma_start3A_140 = tpu.memref_squeeze %dma_start3A_139 : memref<1x32x1024xf32, #tpu.memory_space<vmem>> -> memref<32x1024xf32, #tpu.memory_space<vmem>>
    tpu.enqueue_dma source(%dma_start3A_140 : memref<32x1024xf32, #tpu.memory_space<vmem>>) target(%dma_start3A_136 : memref<32x1024xf32, #tpu.memory_space<hbm>>) target_semaphore(%arg12 : memref<!tpu.dma_semaphore, #tpu.memory_space<semaphore_mem>>)
    %dma_wait3A_141 = arith.constant 2 : i32
    %dma_wait3A_142 = arith.constant 0 : i32
    %dma_wait3A_143 = arith.constant 0 : i32
    %dma_wait3A_144 = tpu.memref_slice %arg7[%dma_wait3A_141, %dma_wait3A_142, %dma_wait3A_143] : memref<3x32x1024xf32, #tpu.memory_space<vmem>> -> memref<1x32x1024xf32, #tpu.memory_space<vmem>>
    %dma_wait3A_145 = tpu.memref_squeeze %dma_wait3A_144 : memref<1x32x1024xf32, #tpu.memory_space<vmem>> -> memref<32x1024xf32, #tpu.memory_space<vmem>>
    %dma_wait3A_146 = arith.constant 1024 : i32
    %dma_wait3A_147 = tpu.memref_slice %arg5[%dma_wait3A_146] : memref<1088xi32, #tpu.memory_space<vmem>> -> memref<32xi32, #tpu.memory_space<vmem>>
    %dma_wait3A_148 = arith.constant 0 : i32
    %dma_wait3A_149 = arith.constant 0 : i32
    %dma_wait3A_150 = tpu.memref_slice %arg2[%dma_wait3A_148, %dma_wait3A_149] : memref<8194x1024xf32, #tpu.memory_space<hbm>> -> memref<8194x1024xf32, #tpu.memory_space<hbm>>
    tpu.wait_indirect_dma semaphore(%arg10 : memref<!tpu.dma_semaphore, #tpu.memory_space<semaphore_mem>>) src(%dma_wait3A_150 : memref<8194x1024xf32, #tpu.memory_space<hbm>>) dst(%dma_wait3A_145 : memref<32x1024xf32, #tpu.memory_space<vmem>>)
    %add3A_151 = arith.constant 960 : i32
    %add3A_152 = arith.addi %mul3A_2, %add3A_151 : i32
    %dma_wait3A_153 = arith.constant 0 : i32
    %dma_wait3A_154 = arith.constant 0 : i32
    %dma_wait3A_155 = arith.constant 0 : i32
    %dma_wait3A_156 = tpu.memref_slice %arg7[%dma_wait3A_153, %dma_wait3A_154, %dma_wait3A_155] : memref<3x32x1024xf32, #tpu.memory_space<vmem>> -> memref<1x32x1024xf32, #tpu.memory_space<vmem>>
    %dma_wait3A_157 = tpu.memref_squeeze %dma_wait3A_156 : memref<1x32x1024xf32, #tpu.memory_space<vmem>> -> memref<32x1024xf32, #tpu.memory_space<vmem>>
    %dma_wait3A_158 = arith.constant 0 : i32
    %dma_wait3A_159 = tpu.memref_slice %arg4[%add3A_152, %dma_wait3A_158] : memref<32768x1024xf32, #tpu.memory_space<hbm>> -> memref<32x1024xf32, #tpu.memory_space<hbm>>
    %dma_wait3A_160 = arith.constant 0 : i32
    %dma_wait3A_161 = tpu.memref_slice %arg4[%add3A_152, %dma_wait3A_160] : memref<32768x1024xf32, #tpu.memory_space<hbm>> -> memref<32x1024xf32, #tpu.memory_space<hbm>>
    %dma_wait3A_162 = arith.constant 0 : i32
    %dma_wait3A_163 = arith.constant 0 : i32
    %dma_wait3A_164 = tpu.memref_slice %arg7[%dma_wait3A_153, %dma_wait3A_162, %dma_wait3A_163] : memref<3x32x1024xf32, #tpu.memory_space<vmem>> -> memref<1x32x1024xf32, #tpu.memory_space<vmem>>
    %dma_wait3A_165 = tpu.memref_squeeze %dma_wait3A_164 : memref<1x32x1024xf32, #tpu.memory_space<vmem>> -> memref<32x1024xf32, #tpu.memory_space<vmem>>
    tpu.wait_dma2 semaphore(%arg11 : memref<!tpu.dma_semaphore, #tpu.memory_space<semaphore_mem>>) src(%dma_wait3A_165 : memref<32x1024xf32, #tpu.memory_space<vmem>>) dst(%dma_wait3A_161 : memref<32x1024xf32, #tpu.memory_space<hbm>>)
    %add3A_166 = arith.constant 992 : i32
    %add3A_167 = arith.addi %mul3A_2, %add3A_166 : i32
    %dma_wait3A_168 = arith.constant 1 : i32
    %dma_wait3A_169 = arith.constant 0 : i32
    %dma_wait3A_170 = arith.constant 0 : i32
    %dma_wait3A_171 = tpu.memref_slice %arg7[%dma_wait3A_168, %dma_wait3A_169, %dma_wait3A_170] : memref<3x32x1024xf32, #tpu.memory_space<vmem>> -> memref<1x32x1024xf32, #tpu.memory_space<vmem>>
    %dma_wait3A_172 = tpu.memref_squeeze %dma_wait3A_171 : memref<1x32x1024xf32, #tpu.memory_space<vmem>> -> memref<32x1024xf32, #tpu.memory_space<vmem>>
    %dma_wait3A_173 = arith.constant 0 : i32
    %dma_wait3A_174 = tpu.memref_slice %arg4[%add3A_167, %dma_wait3A_173] : memref<32768x1024xf32, #tpu.memory_space<hbm>> -> memref<32x1024xf32, #tpu.memory_space<hbm>>
    %dma_wait3A_175 = arith.constant 0 : i32
    %dma_wait3A_176 = tpu.memref_slice %arg4[%add3A_167, %dma_wait3A_175] : memref<32768x1024xf32, #tpu.memory_space<hbm>> -> memref<32x1024xf32, #tpu.memory_space<hbm>>
    %dma_wait3A_177 = arith.constant 0 : i32
    %dma_wait3A_178 = arith.constant 0 : i32
    %dma_wait3A_179 = tpu.memref_slice %arg7[%dma_wait3A_168, %dma_wait3A_177, %dma_wait3A_178] : memref<3x32x1024xf32, #tpu.memory_space<vmem>> -> memref<1x32x1024xf32, #tpu.memory_space<vmem>>
    %dma_wait3A_180 = tpu.memref_squeeze %dma_wait3A_179 : memref<1x32x1024xf32, #tpu.memory_space<vmem>> -> memref<32x1024xf32, #tpu.memory_space<vmem>>
    tpu.wait_dma2 semaphore(%arg12 : memref<!tpu.dma_semaphore, #tpu.memory_space<semaphore_mem>>) src(%dma_wait3A_180 : memref<32x1024xf32, #tpu.memory_space<vmem>>) dst(%dma_wait3A_176 : memref<32x1024xf32, #tpu.memory_space<hbm>>)
    return
  }
}

</mosaic_0001>

<sc_bundles>
// kernel: kernel.3.cloned.1.call-start
scs
__scs_entry_jumppad:
0x0: {  	(pc) =	sbr.rel $0x88, $3  }
0x1: {  	(tag) =	ssettag $0x0;
	lr =	simm.s32 $0x1  }
0x2: {  	[smem:$0x3F9F] =	sst lr;
	_ =	strace $0xD0000000  }
0x3: {  	_ = 	snop  }
0x4: {  	_ = 	snop  }
0x5: {  	_ = 	snop  }
0x6: {  	_ = 	snop  }
0x7: {  	_ = 	snop  }
__scs_overlays_trampoline_lowered:
0x8: {  	[smem:$0x3FAE] =	sst s0  }
0x9: {  	[smem:$0x3FAF] =	sst s1  }
0xa: {  	[smem:$0x3FB0] =	sst s2  }
0xb: {  	[smem:$0x3FB1] =	sst s3  }
0xc: {  	[smem:$0x3FB2] =	sst s4  }
0xd: {  	[smem:$0x3FB3] =	sst s5  }
0xe: {  	[smem:$0x3FB4] =	sst s6  }
0xf: {  	[smem:$0x3FB5] =	sst s7  }
0x10: {  	[smem:$0x3FB6] =	sst s8  }
0x11: {  	[smem:$0x3FB7] =	sst s9;
	s0 =	simm.s32 @!p0 $0x0  }
0x12: {  	s1 =	sld [smem:$0x3F9D];
	s0 =	simm.s32 @p0 $0x1  }
0x13: {  	[smem:$0x3FB8] =	sst s0;
	s0 =	simm.s32 @!p1 $0x0  }
0x14: {  	s2 =	sld [smem:$0x3F9C];
	s0 =	simm.s32 @p1 $0x1  }
0x15: {  	[smem:$0x3FB9] =	sst s0;
	s0 =	simm.s32 @!p2 $0x0  }
0x16: {  	s3 =	sld [smem:$0x3FDB];
	s0 =	simm.s32 @p2 $0x1  }
0x17: {  	s4 =	simm.s32 $0x1BF5;
	[smem:$0x3FBB] =	sst s0  }
0x18: {  	s0 =	sld [smem:$0x3F9E];
	_ =	swait.ge [sflag:s4], $0x0  }
0x19: {  	s7 =	sld [smem:$0x3F9F]  }
0x1a: {  	s8 =	sadd.s32 $0xFFFFE003, lr  }
0x1b: {  	s9 =	sadd.s32 $0xFFFFFEF7, lr;
	s5 =	simm.s32 $0xFFFFFFFF;
	p2 =	slt.u32 s8, $0xFFFFF086  }
0x1c: {  	p1 =	slt.u32 s9, $0xF7A;
	s5 =	simm.s32 @!p2 $0x0  }
0x1d: {  	s5 =	simm.s32 @p1 $0x1;
	p0 =	seq.s32 s7, s2  }
0x1e: {  	s7 =	smul.u32 @!p0 $0xF7A, s2;
	p2 =	seq.s32 @!p0 s5, $0x0  }
0x1f: {  	s9 =	smul.u32 $0xF7A, s1;
	s8 =	simm.s32 @!p0 $0x1BF5;
	p2 =	por !p2, p0  }
0x20: {  	[sflag:s8] =	ssyncset.s32 @!p0 $0xFFFFF086;
	s6 =	sadd.s32 @!p0 s3, s7;
	s7 =	simm.s32 @!p0 $0x108  }
0x21: {  	s3 =	sadd.s32 s3, s9;
	s6 =	sadd.s32 @!p0 $0x88, s6;
	s7 =	simm.s32 @p2 $0x1082  }
0x22: {  	[simem:s7], [sflag:s8] =	dma.local @!p0 [hbm:s6], $0xF7A  }
0x23: {  	s9 =	sor.u32 $0xD0000000, s2;
	s6 =	simm.s32 $0x108;
	_ =	swait.ge @!p0 [sflag:s8], $0x0  }
0x24: {  	s3 =	sadd.s32 $0x88, s3;
	s6 =	simm.s32 @!p1 $0x1082;
	[sflag:s4] =	ssyncset.s32 $0xFFFFF086  }
0x25: {  	[simem:s6], [sflag:s4] =	dma.local [hbm:s3], $0xF7A  }
0x26: {  	[smem:$0x3F9F] =	sst s1;
	(tag) =	ssettag s2;
	_ =	strace s9  }
0x27: {  	s1 =	sld [smem:$0x3FAF]  }
0x28: {  	s2 =	sld [smem:$0x3FB0]  }
0x29: {  	s4 =	sld [smem:$0x3FB2]  }
0x2a: {  	p0 =	seq.s32 s5, $0x0;
	s5 =	sld [smem:$0x3FB3]  }
0x2b: {  	s6 =	sld [smem:$0x3FB4]  }
0x2c: {  	s7 =	sld [smem:$0x3FB5]  }
0x2d: {  	s3 =	simm.s32 $0x108;
	s8 =	sld [smem:$0x3FB6]  }
0x2e: {  	s3 =	simm.s32 @!p0 $0x1082;
	s9 =	sld [smem:$0x3FB7]  }
0x2f: {  	lr =	sadd.s32 s0, s3;
	s0 =	sld [smem:$0x3FAE]  }
0x30: {  	s3 =	sld [smem:$0x3FB1]  }
0x31: {  	[smem:$0x3FBA] =	sst s10  }
0x32: {  	s10 =	sld [smem:$0x3FB8];
	_ =	sdelay $0x3  }
0x33: {  	p0 =	seq.s32 s10, $0x1;
	s10 =	sld [smem:$0x3FBA];
	_ =	sdelay $0x3  }
0x34: {  	[smem:$0x3FBA] =	sst s10  }
0x35: {  	s10 =	sld [smem:$0x3FB9];
	_ =	sdelay $0x3  }
0x36: {  	p1 =	seq.s32 s10, $0x1;
	s10 =	sld [smem:$0x3FBA];
	_ =	sdelay $0x3  }
0x37: {  	[smem:$0x3FBA] =	sst s10  }
0x38: {  	s10 =	sld [smem:$0x3FBB]  }
0x39: {  	_ = 	snop;
	(pc) =	sbr.ind lr, $3  }
0x3a: {  	_ = 	snop  }
0x3b: {  	_ = 	snop  }
0x3c: {  	p2 =	seq.s32 s10, $0x1;
	s10 =	sld [smem:$0x3FBA]  }
0x3d: {  	_ =	shalt  }
0x3e: {  	_ =	shalt  }
0x3f: {  	_ =	shalt  }
0x40: {  	_ =	shalt  }
0x41: {  	_ =	shalt  }
0x42: {  	_ =	shalt  }
0x43: {  	_ =	shalt  }
0x44: {  	_ =	shalt  }
0x45: {  	_ =	shalt  }
0x46: {  	_ =	shalt  }
0x47: {  	_ =	shalt  }
0x48: {  	_ =	shalt  }
0x49: {  	_ =	shalt  }
0x4a: {  	_ =	shalt  }
0x4b: {  	_ =	shalt  }
0x4c: {  	_ =	shalt  }
0x4d: {  	_ =	shalt  }
0x4e: {  	_ =	shalt  }
0x4f: {  	_ =	shalt  }
0x50: {  	_ =	shalt  }
0x51: {  	_ =	shalt  }
0x52: {  	_ =	shalt  }
0x53: {  	_ =	shalt  }
0x54: {  	_ =	shalt  }
0x55: {  	_ =	shalt  }
0x56: {  	_ =	shalt  }
0x57: {  	_ =	shalt  }
0x58: {  	_ =	shalt  }
0x59: {  	_ =	shalt  }
0x5a: {  	_ =	shalt  }
0x5b: {  	_ =	shalt  }
0x5c: {  	_ =	shalt  }
0x5d: {  	_ =	shalt  }
0x5e: {  	_ =	shalt  }
0x5f: {  	_ =	shalt  }
0x60: {  	_ =	shalt  }
0x61: {  	_ =	shalt  }
0x62: {  	_ =	shalt  }
0x63: {  	_ =	shalt  }
0x64: {  	_ =	shalt  }
0x65: {  	_ =	shalt  }
0x66: {  	_ =	shalt  }
0x67: {  	_ =	shalt  }
0x68: {  	_ =	shalt  }
0x69: {  	_ =	shalt  }
0x6a: {  	_ =	shalt  }
0x6b: {  	_ =	shalt  }
0x6c: {  	_ =	shalt  }
0x6d: {  	_ =	shalt  }
0x6e: {  	_ =	shalt  }
0x6f: {  	_ =	shalt  }
0x70: {  	_ =	shalt  }
0x71: {  	_ =	shalt  }
0x72: {  	_ =	shalt  }
0x73: {  	_ =	shalt  }
0x74: {  	_ =	shalt  }
0x75: {  	_ =	shalt  }
0x76: {  	_ =	shalt  }
0x77: {  	_ =	shalt  }
0x78: {  	_ =	shalt  }
0x79: {  	_ =	shalt  }
0x7a: {  	_ =	shalt  }
0x7b: {  	_ =	shalt  }
0x7c: {  	_ =	shalt  }
0x7d: {  	_ =	shalt  }
0x7e: {  	_ =	shalt  }
0x7f: {  	_ =	shalt  }
0x80: {  	_ =	shalt  }
0x81: {  	_ =	shalt  }
0x82: {  	_ =	shalt  }
0x83: {  	_ =	shalt  }
0x84: {  	_ =	shalt  }
0x85: {  	_ =	shalt  }
0x86: {  	_ =	shalt  }
0x87: {  	_ =	shalt  }
.Lfunc_end0:
.L_simem_size_0:
called_computation_lowered:
.L_overlay_start_0:
0x88: {  	s2 =	sld [smem:$0x3FD9]  }
0x89: {  	s3 =	sld [smem:$0x3FFE];
	_ =	sdelay $0x1  }
0x8a: {  	s1 =	srdreg.scid  }
0x8b: {  	s0 =	sand.u32 $0x1, s1  }
0x8c: {  	s17 =	sshll.u32 s0, $0xA;
	s2 =	sadd.s32 s3, s2  }
0x8d: {  	s2 =	sadd.s32 s2, s17  }
0x8e: {  	[smem:$0x3FC6] =	sst s2  }
0x8f: {  	_ = 	snop  }
0x90: {  	s2 =	sld [smem:$0x3FC8]  }
0x91: {  	s18 =	sld [smem:$0x3FD0];
	(tm) =	ssettm $0x1  }
0x92: {  	s4 =	sld [smem:$0x3FFB];
	_ =	sdelay $0x3  }
0x93: {  	_ =	strace s4  }
0x94: {  	s4 =	sld [smem:$0x3FFC];
	_ =	sdelay $0x3  }
0x95: {  	_ =	strace s4  }
0x96: {  	s4 =	sld [smem:$0x3FFD];
	_ =	sdelay $0x3  }
0x97: {  	_ =	strace s4  }
0x98: {  	_ =	strace $0x8FFFFFFF  }
0x99: {  	s19 =	sld [smem:$0x3FDB];
	_ =	sdelay $0x1  }
0x9a: {  	s5 =	simm.s32 $_scs_section_size  }
0x9b: {  	s6 =	simm.s32 $_size__tile_overlayer_lowered;
	s7 =	simm.s32 $_tile_overlayer_lowered  }
0x9c: {  	s22 =	simm.s32 $0x1BFF;
	s21 =	sshll.u32 s7, $0x1;
	s4 =	sadd.s32 s5, s19  }
0x9d: {  	s8 =	simm.s32 $0x0;
	s20 =	sshll.u32 s6, $0x1;
	s6 =	sadd.s32 s21, s4  }
0x9e: {  	[timem:s8], [sflag:s22] =	dma.local [hbm:s6], s20  }
0x9f: {  	_ =	swait.ge [sflag:s22], s20  }
0xa0: {  	s5 =	ssub.s32 $0x0, s20;
	[sflag:s22] =	ssyncset.done $0x0  }
0xa1: {  	[sflag:s22] =	ssyncadd.s32 s5;
	_ =	sdelay $0x1  }
0xa2: {  	s23 =	simm.s32 $0x1B8B  }
0xa3: {  	_ =	swait.ge [sflag:s23], $0x1  }
0xa4: {  	[sflag:s23] =	ssyncset.done $0x0  }
0xa5: {  	s25 =	simm.s32 $0x1B8E;
	s24 =	sld [smem:$0x3FFE];
	[sflag:s23] =	ssyncadd.s32 $0xFFFFFFFF  }
0xa6: {  	s26 =	simm.s32 $execute0_lowered;
	[smem:$0x3FD2] =	sst s25  }
0xa7: {  	s6 =	sshll.u32 s26, $0x1;
	_ =	strace $0x80000046;
	[dreg:$0x1] =	wrdreg $0xFFFFFFFF  }
0xa8: {  	s28 =	simm.s32 $_size_execute0_lowered;
	s4 =	sadd.s32 s4, s6;
	[dreg:$0x0] =	wrdreg $0x0  }
0xa9: {  	s6 =	sshll.u32 s28, $0x1;
	[dreg:$0x2] =	wrdreg s4  }
0xaa: {  	[dreg:$0x3] =	wrdreg s6  }
0xab: {  	[dreg:$0x4] =	wrdreg $0xC0  }
0xac: {  	_ =	task [dreg:s8], $0x5FFFF  }
0xad: {  	[dreg:$0x1] =	wrdreg $0xFFFFFFFF  }
0xae: {  	[dreg:$0x0] =	wrdreg $0x60  }
0xaf: {  	[dreg:$0x2] =	wrdreg s2  }
0xb0: {  	[dreg:$0x3] =	wrdreg s24  }
0xb1: {  	[dreg:$0x4] =	wrdreg s18  }
0xb2: {  	[dreg:$0x5] =	wrdreg $0x9  }
0xb3: {  	_ =	task.clear_ibuf [dreg:s8], $0x6FFFF;
	_ =	strace $0x90000046  }
0xb4: {  	s29 =	simm.s32 $0x9;
	_ =	strace $0x80000048  }
0xb5: {  	_ =	swait.ge [sflag:s29], $0x1  }
0xb6: {  	[sflag:s29] =	ssyncadd.s32 $0xFFFFFFFF  }
0xb7: {  	_ =	strace $0x90000048  }
0xb8: {  	_ =	sfence  }
0xb9: {  	s30 =	sld [smem:$0x0];
	_ =	sdelay $0x2  }
0xba: {  	s31 =	sshll.u32 s1, $0xD;
	s1 =	sshrl.u32 s1, $0x2  }
0xbb: {  	s3 =	sand.u32 $0x4000, s31;
	s1 =	sadd.s32 s1, s30  }
0xbc: {  	s0 =	sor.u32 s3, s0;
	s1 =	sshll.u32 s1, $0x11  }
0xbd: {  	s0 =	sor.u32 s1, s0  }
0xbe: {  	s0 =	sadd.s32 $0x8F2B, s0  }
0xbf: {  	[sflag:s0] =	ssyncadd.remote.s32 $0x1  }
0xc0: {  	_ =	sfence.sel $0xFFFF  }
0xc1: {  	[dreg:$0x0] =	wrdreg $0xFFFFFFFF;
	(pc) =	sbr.abs _section_cstart, $3  }
0xc2: {  	[dreg:$0x1] =	wrdreg $0xFFFFFFFF  }
0xc3: {  	_ =	task.clear_ibuf [dreg:s8], $0x2FFFF;
	_ =	strace $0x9FFFFFFF  }
0xc4: {  	(tm) =	ssettm $0x7FFFFFFF  }
0xc5: {  	_ =	shalt  }
tec
execute0_lowered:
.L_overlay_start_1:
0x0: {  	(tag) =	ssettag $0x1  }
0x1: {  	s1 =	rddreg [dreg:$0x0]  }
0x2: {  	s0 =	srdreg.scid;
	s2 =	rddreg [dreg:$0x1]  }
0x3: {  	s10 =	stileid.u32;
	s4 =	rddreg [dreg:$0x2];
	s14 =	simm.s32 $0x880  }
0x4: {  	s31 =	simm.s32 $0x8880;
	s21 =	simm.s32 $0x1;
	s22 =	simm.s32 $0x10880  }
0x5: {  	s13 =	simm.s32 $0x2;
	s15 =	simm.s32 $0x4;
	s16 =	simm.s32 $0x3  }
0x6: {  	s28 =	simm.s32 $0xB080;
	s29 =	simm.s32 $0xB880;
	s30 =	simm.s32 $0xC080  }
0x7: {  	s12 =	simm.s32 $0xD880;
	s0 =	sand.u32 $0x1, s0;
	s3 =	sshll.u32 s10, $0xB  }
0x8: {  	s7 =	sadd.s32 $0x300, s1;
	s10 =	sshll.u32 s10, $0x12;
	s5 =	sshll.u32 s0, $0xA  }
0x9: {  	s6 =	ssub.s32 $0x2, s0;
	s0 =	sshll.u32 s0, $0x11;
	s8 =	sor.u32 s5, s3  }
0xa: {  	s3 =	simm.s32 $0x0;
	s23 =	sshrl.u32 s6, $0x1;
	s5 =	sshrl.u32 s8, $0x3  }
0xb: {  	[smem:$0x7FF] =	sst s3;
	s9 =	ssub.s32 s6, s23;
	s6 =	sadd.s32 $0x200, s1  }
0xc: {  	s24 =	sshll.u32 s8, $0x7;
	s25 =	sand.u32 $0x1C00, s8;
	s23 =	simm.s32 $0x9080  }
0xd: {  	s8 =	simm.s32 $0xE880;
	s2 =	sadd.s32 s5, s2;
	_ =	strace $0x80000047  }
0xe: {  	s5 =	sadd.s32 $0x100, s1;
	s26 =	smax.u32 s9, $0x1;
	s9 =	simm.s32 $0xF080  }
0xf: {  	s2 =	sadd.s32 $0x400, s2;
	[dreg:$0x8] =	wrdreg s26;
	s26 =	simm.s32 $0xA880  }
0x10: {  	[dreg:$0x5] =	wrdreg s2;
	s2 =	sadd.s32 s24, s4;
	s4 =	sadd.s32 s10, s4  }
0x11: {  	s24 =	simm.s32 $0x9880;
	s10 =	simm.s32 $0xF880;
	s11 =	sadd.s32 $0x1E000, s2  }
0x12: {  	s2 =	sadd.s32 $0x1F000, s2;
	s0 =	sadd.s32 s0, s4;
	[dreg:$0x6] =	wrdreg s11  }
0x13: {  	v0 =	vlaneseq.u32;
	s4 =	simm.s32 $0xE080;
	[dreg:$0x7] =	wrdreg s2;
	s2 =	sor.u32 $0x2, s25  }
0x14: {  	v1 =	vimm.s32 $0x0;
	vm0 =	vmmov $0xffff;
	v3 =	vshrl.u32 v0, $0x3;
	[dreg:$0x4] =	wrdreg s0;
	s0 =	simm.s32 $0x0;
	s25 =	simm.s32 $0xA080  }
0x15: {  	v2 =	vand.u32 $0x7, v0;
	v4 =	vor.u32 $0x8, v0;
	v3 =	vmul.u32 $0x8, v3;
	s11 =	simm.s32 $0x10080;
	[dreg:$0x9] =	wrdreg s2;
	s2 =	simm.s32 $0xC880  }
.LBB2_1:
0x16: {  	[dreg:$0xa] =	wrdreg s0  }
0x17: {  	s17 =	rddreg [dreg:$0x5];
	s18 =	simm.s32 $0x480;
	s20 =	simm.s32 $0x7  }
0x18: {  	[tilespmem:s18], [sflag:$0x7] =	stream.linear.gather [hbm4b:s17+s3], $0x400, $0x38;
	[tilespmem:$0x18880] =	vst v63  }
0x19: {  	_ =	swait.ge [sflag:s20], $0x400  }
0x1a: {  	[sflag:s20] =	ssyncset.done $0x0  }
0x1b: {  	s17 =	simm.s32 $0x0;
	[sflag:s20] =	ssyncadd.s32 $0xFFFFFC00  }
0x1c: {  	v5 =	vld [tilespmem:s17+$0x480];
	_ =	sdelay $0x3  }
0x1d: {  	s18 =	simm.s32 $0x40;
	s19 =	rddreg [dreg:$0x9]  }
.LBB2_2:
0x1e: {  	s20 =	sshra.s32 s18, $0x2;
	p0 =	sne.s32 s18, $0xFC0;
	s18 =	sadd.s32 $0x40, s18;
	v6 =	vadd.s32 s19, v0;
	vm1 =	veq.s32 v5, $0x1  }
.Ltmp0:
0x1f: {  	v5 =	vld [tilespmem:s20+$0x480];
	v6 =	vsel vm1, $0x1, v6;
	(pc) =	sbr.rel @p0 .LBB2_2-.Ltmp0, $2  }
0x20: {  	[tilespmem:s17+$0x0] =	vst v6;
	s17 =	smov.u32 s20;
	_ =	sdelay $0x2  }
0x21: {  	s19 =	sadd.s32 $0x10, s19  }
0x22: {  	v6 =	vadd.s32 s19, v0;
	vm1 =	veq.s32 v5, $0x1  }
0x23: {  	v5 =	vsel vm1, $0x1, v6  }
0x24: {  	[tilespmem:s17+$0x0] =	vst v5  }
0x25: {  	v5 =	vld [tilespmem:$0x0];
	_ =	sdelay $0x4  }
0x26: {  	v6 =	vshll.u32 v5, $0x3  }
0x27: {  	v5 =	vand.u32 $0x7, v5;
	v6 =	vand.u32 $0xFFFFFFC0, v6  }
0x28: {  	v5 =	vor.u32 v5, v6  }
0x29: {  	v6 =	vperm.xlane v5, v2;
	_ =	sdelay $0x1  }
0x2a: {  	v6 =	vadd.s32 v3, v6  }
0x2b: {  	[tilespmem:$0x400] =	vst v1  }
0x2c: {  	[tilespmem:$0x410] =	vst v1  }
0x2d: {  	[tilespmem:$0x420] =	vst v1  }
0x2e: {  	s17 =	simm.s32 $0x0;
	[tilespmem:$0x430] =	vst v1  }
0x2f: {  	[tilespmem:s14], [sflag:$0x1] =	stream.indirect_vreg.gather [hbm4b:s1+s17], $0x80, v6, vm0, $0xb8;
	[tilespmem:$0x18880] =	vst v63  }
0x30: {  	s18 =	simm.s32 $0x1080;
	v5 =	vperm.xlane v5, v4  }
0x31: {  	[tilespmem:s18], [sflag:$0x1] =	stream.indirect_vreg.gather [hbm4b:s5+s17], $0x80, v6, vm0, $0xb8;
	[tilespmem:$0x18880] =	vst v63  }
0x32: {  	s19 =	simm.s32 $0x1880;
	v5 =	vadd.s32 v3, v5  }
0x33: {  	[tilespmem:s19], [sflag:$0x1] =	stream.indirect_vreg.gather [hbm4b:s6+s17], $0x80, v6, vm0, $0xb8;
	[tilespmem:$0x18880] =	vst v63  }
0x34: {  	s20 =	simm.s32 $0x2080  }
0x35: {  	[tilespmem:s20], [sflag:$0x1] =	stream.indirect_vreg.gather [hbm4b:s7+s17], $0x80, v6, vm0, $0xb8;
	[tilespmem:$0x18880] =	vst v63  }
0x36: {  	s0 =	simm.s32 $0x2880  }
0x37: {  	[tilespmem:s0], [sflag:$0x1] =	stream.indirect_vreg.gather [hbm4b:s1+s17], $0x80, v5, vm0, $0xb8;
	[tilespmem:$0x18880] =	vst v63  }
0x38: {  	s19 =	simm.s32 $0x3080  }
0x39: {  	[tilespmem:s19], [sflag:$0x1] =	stream.indirect_vreg.gather [hbm4b:s5+s17], $0x80, v5, vm0, $0xb8;
	[tilespmem:$0x18880] =	vst v63  }
0x3a: {  	s20 =	simm.s32 $0x3880  }
0x3b: {  	[tilespmem:s20], [sflag:$0x1] =	stream.indirect_vreg.gather [hbm4b:s6+s17], $0x80, v5, vm0, $0xb8;
	[tilespmem:$0x18880] =	vst v63  }
0x3c: {  	s0 =	simm.s32 $0x4080  }
0x3d: {  	[tilespmem:s0], [sflag:$0x1] =	stream.indirect_vreg.gather [hbm4b:s7+s17], $0x80, v5, vm0, $0xb8;
	[tilespmem:$0x18880] =	vst v63  }
0x3e: {  	v5 =	vld [tilespmem:$0x10];
	_ =	sdelay $0x4  }
0x3f: {  	v6 =	vshll.u32 v5, $0x3  }
0x40: {  	v5 =	vand.u32 $0x7, v5;
	v6 =	vand.u32 $0xFFFFFFC0, v6  }
0x41: {  	v5 =	vor.u32 v5, v6  }
0x42: {  	v6 =	vperm.xlane v5, v2;
	_ =	sdelay $0x1  }
0x43: {  	v6 =	vadd.s32 v3, v6;
	_ =	sdelay $0x3  }
0x44: {  	s19 =	simm.s32 $0x4880  }
0x45: {  	[tilespmem:s19], [sflag:$0x1] =	stream.indirect_vreg.gather [hbm4b:s1+s17], $0x80, v6, vm0, $0xb8;
	[tilespmem:$0x18880] =	vst v63  }
0x46: {  	s20 =	simm.s32 $0x5080;
	v5 =	vperm.xlane v5, v4  }
0x47: {  	[tilespmem:s20], [sflag:$0x1] =	stream.indirect_vreg.gather [hbm4b:s5+s17], $0x80, v6, vm0, $0xb8;
	[tilespmem:$0x18880] =	vst v63  }
0x48: {  	s0 =	simm.s32 $0x5880;
	v5 =	vadd.s32 v3, v5  }
0x49: {  	[tilespmem:s0], [sflag:$0x1] =	stream.indirect_vreg.gather [hbm4b:s6+s17], $0x80, v6, vm0, $0xb8;
	[tilespmem:$0x18880] =	vst v63  }
0x4a: {  	s19 =	simm.s32 $0x6080  }
0x4b: {  	[tilespmem:s19], [sflag:$0x1] =	stream.indirect_vreg.gather [hbm4b:s7+s17], $0x80, v6, vm0, $0xb8;
	[tilespmem:$0x18880] =	vst v63  }
0x4c: {  	s20 =	simm.s32 $0x6880  }
0x4d: {  	[tilespmem:s20], [sflag:$0x1] =	stream.indirect_vreg.gather [hbm4b:s1+s17], $0x80, v5, vm0, $0xb8;
	[tilespmem:$0x18880] =	vst v63  }
0x4e: {  	s0 =	simm.s32 $0x7080  }
0x4f: {  	[tilespmem:s0], [sflag:$0x1] =	stream.indirect_vreg.gather [hbm4b:s5+s17], $0x80, v5, vm0, $0xb8;
	[tilespmem:$0x18880] =	vst v63  }
0x50: {  	s19 =	simm.s32 $0x7880  }
0x51: {  	[tilespmem:s19], [sflag:$0x1] =	stream.indirect_vreg.gather [hbm4b:s6+s17], $0x80, v5, vm0, $0xb8;
	[tilespmem:$0x18880] =	vst v63  }
0x52: {  	s18 =	simm.s32 $0x40;
	s20 =	simm.s32 $0x8080;
	s0 =	simm.s32 $0xD080  }
0x53: {  	[tilespmem:s20], [sflag:$0x1] =	stream.indirect_vreg.gather [hbm4b:s7+s17], $0x80, v5, vm0, $0xb8;
	[tilespmem:$0x18880] =	vst v63  }
.LBB2_4:
0x54: {  	p0 =	seq.s32 s17, $0x0  }
0x55: {  	s19 =	simm.s32 @!p0 $0x5  }
0x56: {  	_ =	swait.ge @!p0 [sflag:s19], $0x8000  }
0x57: {  	[sflag:s19] =	ssyncset.done @!p0 $0x0  }
0x58: {  	[sflag:s19] =	ssyncadd.s32 @!p0 $0xFFFF8000  }
0x59: {  	v5 =	vld [tilespmem:s18+$0xFFFFFFE0];
	_ =	sdelay $0x4  }
0x5a: {  	v6 =	vshll.u32 v5, $0x3  }
0x5b: {  	v5 =	vand.u32 $0x7, v5;
	v6 =	vand.u32 $0xFFFFFFC0, v6  }
0x5c: {  	v5 =	vor.u32 v5, v6  }
0x5d: {  	v6 =	vperm.xlane v5, v2;
	_ =	sdelay $0x1  }
0x5e: {  	v6 =	vadd.s32 v3, v6;
	_ =	sdelay $0x4  }
0x5f: {  	[tilespmem:s31], [sflag:$0x2] =	stream.indirect_vreg.gather [hbm4b:s1+s3], $0x80, v6, vm0, $0xb8;
	[tilespmem:$0x18880] =	vst v63  }
0x60: {  	v5 =	vperm.xlane v5, v4  }
0x61: {  	[tilespmem:s23], [sflag:$0x2] =	stream.indirect_vreg.gather [hbm4b:s5+s3], $0x80, v6, vm0, $0xb8;
	[tilespmem:$0x18880] =	vst v63  }
0x62: {  	v5 =	vadd.s32 v3, v5  }
0x63: {  	[tilespmem:s24], [sflag:$0x2] =	stream.indirect_vreg.gather [hbm4b:s6+s3], $0x80, v6, vm0, $0xb8;
	[tilespmem:$0x18880] =	vst v63  }
0x64: {  	_ = 	snop  }
0x65: {  	[tilespmem:s25], [sflag:$0x2] =	stream.indirect_vreg.gather [hbm4b:s7+s3], $0x80, v6, vm0, $0xb8;
	[tilespmem:$0x18880] =	vst v63  }
0x66: {  	_ = 	snop  }
0x67: {  	[tilespmem:s26], [sflag:$0x2] =	stream.indirect_vreg.gather [hbm4b:s1+s3], $0x80, v5, vm0, $0xb8;
	[tilespmem:$0x18880] =	vst v63  }
0x68: {  	_ = 	snop  }
0x69: {  	[tilespmem:s28], [sflag:$0x2] =	stream.indirect_vreg.gather [hbm4b:s5+s3], $0x80, v5, vm0, $0xb8;
	[tilespmem:$0x18880] =	vst v63  }
0x6a: {  	_ = 	snop  }
0x6b: {  	[tilespmem:s29], [sflag:$0x2] =	stream.indirect_vreg.gather [hbm4b:s6+s3], $0x80, v5, vm0, $0xb8;
	[tilespmem:$0x18880] =	vst v63  }
0x6c: {  	_ = 	snop  }
0x6d: {  	[tilespmem:s30], [sflag:$0x2] =	stream.indirect_vreg.gather [hbm4b:s7+s3], $0x80, v5, vm0, $0xb8;
	[tilespmem:$0x18880] =	vst v63  }
0x6e: {  	v5 =	vld [tilespmem:s18+$0xFFFFFFF0];
	_ =	sdelay $0x4  }
0x6f: {  	v6 =	vshll.u32 v5, $0x3  }
0x70: {  	v5 =	vand.u32 $0x7, v5;
	v6 =	vand.u32 $0xFFFFFFC0, v6  }
0x71: {  	v5 =	vor.u32 v5, v6  }
0x72: {  	v6 =	vperm.xlane v5, v2;
	_ =	sdelay $0x1  }
0x73: {  	v6 =	vadd.s32 v3, v6;
	_ =	sdelay $0x4  }
0x74: {  	[tilespmem:s2], [sflag:$0x2] =	stream.indirect_vreg.gather [hbm4b:s1+s3], $0x80, v6, vm0, $0xb8;
	[tilespmem:$0x18880] =	vst v63  }
0x75: {  	v5 =	vperm.xlane v5, v4  }
0x76: {  	[tilespmem:s0], [sflag:$0x2] =	stream.indirect_vreg.gather [hbm4b:s5+s3], $0x80, v6, vm0, $0xb8;
	[tilespmem:$0x18880] =	vst v63  }
0x77: {  	v5 =	vadd.s32 v3, v5  }
0x78: {  	[tilespmem:s12], [sflag:$0x2] =	stream.indirect_vreg.gather [hbm4b:s6+s3], $0x80, v6, vm0, $0xb8;
	[tilespmem:$0x18880] =	vst v63  }
0x79: {  	_ = 	snop  }
0x7a: {  	[tilespmem:s4], [sflag:$0x2] =	stream.indirect_vreg.gather [hbm4b:s7+s3], $0x80, v6, vm0, $0xb8;
	[tilespmem:$0x18880] =	vst v63  }
0x7b: {  	_ = 	snop  }
0x7c: {  	[tilespmem:s8], [sflag:$0x2] =	stream.indirect_vreg.gather [hbm4b:s1+s3], $0x80, v5, vm0, $0xb8;
	[tilespmem:$0x18880] =	vst v63  }
0x7d: {  	_ = 	snop  }
0x7e: {  	[tilespmem:s9], [sflag:$0x2] =	stream.indirect_vreg.gather [hbm4b:s5+s3], $0x80, v5, vm0, $0xb8;
	[tilespmem:$0x18880] =	vst v63  }
0x7f: {  	_ = 	snop  }
0x80: {  	[tilespmem:s10], [sflag:$0x2] =	stream.indirect_vreg.gather [hbm4b:s6+s3], $0x80, v5, vm0, $0xb8;
	[tilespmem:$0x18880] =	vst v63  }
0x81: {  	_ = 	snop  }
0x82: {  	[tilespmem:s11], [sflag:$0x2] =	stream.indirect_vreg.gather [hbm4b:s7+s3], $0x80, v5, vm0, $0xb8;
	[tilespmem:$0x18880] =	vst v63  }
0x83: {  	_ =	swait.ge [sflag:s21], $0x8000  }
0x84: {  	s20 =	rddreg [dreg:$0x4];
	[sflag:s21] =	ssyncset.done $0x0  }
0x85: {  	[sflag:s21] =	ssyncadd.s32 $0xFFFF8000;
	s19 =	sadd.s32 s17, s20;
	s20 =	simm.s32 @!p0 $0x6  }
0x86: {  	[hbm4b:s19+s3] =	stream.linear.scatter [tilespmem:s14], [sflag:$0x4], $0x8000, $0x38;
	[tilespmem:$0x18880] =	vst v63  }
0x87: {  	_ =	swait.ge @!p0 [sflag:s20], $0x8000  }
0x88: {  	[sflag:s20] =	ssyncset.done @!p0 $0x0  }
0x89: {  	[sflag:s20] =	ssyncadd.s32 @!p0 $0xFFFF8000  }
0x8a: {  	v5 =	vld [tilespmem:s18+$0x0];
	_ =	sdelay $0x4  }
0x8b: {  	v6 =	vshll.u32 v5, $0x3  }
0x8c: {  	v5 =	vand.u32 $0x7, v5;
	v6 =	vand.u32 $0xFFFFFFC0, v6  }
0x8d: {  	v5 =	vor.u32 v5, v6  }
0x8e: {  	v6 =	vperm.xlane v5, v2;
	_ =	sdelay $0x1  }
0x8f: {  	v6 =	vadd.s32 v3, v6;
	_ =	sdelay $0x4  }
0x90: {  	[tilespmem:s22], [sflag:$0x3] =	stream.indirect_vreg.gather [hbm4b:s1+s3], $0x80, v6, vm0, $0xb8;
	[tilespmem:$0x18880] =	vst v63  }
0x91: {  	s20 =	simm.s32 $0x11080;
	v5 =	vperm.xlane v5, v4  }
0x92: {  	[tilespmem:s20], [sflag:$0x3] =	stream.indirect_vreg.gather [hbm4b:s5+s3], $0x80, v6, vm0, $0xb8;
	[tilespmem:$0x18880] =	vst v63  }
0x93: {  	v5 =	vadd.s32 v3, v5;
	s20 =	simm.s32 $0x11880  }
0x94: {  	[tilespmem:s20], [sflag:$0x3] =	stream.indirect_vreg.gather [hbm4b:s6+s3], $0x80, v6, vm0, $0xb8;
	[tilespmem:$0x18880] =	vst v63  }
0x95: {  	s20 =	simm.s32 $0x12080  }
0x96: {  	[tilespmem:s20], [sflag:$0x3] =	stream.indirect_vreg.gather [hbm4b:s7+s3], $0x80, v6, vm0, $0xb8;
	[tilespmem:$0x18880] =	vst v63  }
0x97: {  	s20 =	simm.s32 $0x12880  }
0x98: {  	[tilespmem:s20], [sflag:$0x3] =	stream.indirect_vreg.gather [hbm4b:s1+s3], $0x80, v5, vm0, $0xb8;
	[tilespmem:$0x18880] =	vst v63  }
0x99: {  	s20 =	simm.s32 $0x13080  }
0x9a: {  	[tilespmem:s20], [sflag:$0x3] =	stream.indirect_vreg.gather [hbm4b:s5+s3], $0x80, v5, vm0, $0xb8;
	[tilespmem:$0x18880] =	vst v63  }
0x9b: {  	s20 =	simm.s32 $0x13880  }
0x9c: {  	[tilespmem:s20], [sflag:$0x3] =	stream.indirect_vreg.gather [hbm4b:s6+s3], $0x80, v5, vm0, $0xb8;
	[tilespmem:$0x18880] =	vst v63  }
0x9d: {  	s20 =	simm.s32 $0x14080  }
0x9e: {  	[tilespmem:s20], [sflag:$0x3] =	stream.indirect_vreg.gather [hbm4b:s7+s3], $0x80, v5, vm0, $0xb8;
	[tilespmem:$0x18880] =	vst v63  }
0x9f: {  	v5 =	vld [tilespmem:s18+$0x10];
	_ =	sdelay $0x4  }
0xa0: {  	v6 =	vshll.u32 v5, $0x3  }
0xa1: {  	v5 =	vand.u32 $0x7, v5;
	v6 =	vand.u32 $0xFFFFFFC0, v6  }
0xa2: {  	v5 =	vor.u32 v5, v6  }
0xa3: {  	v6 =	vperm.xlane v5, v2;
	_ =	sdelay $0x1  }
0xa4: {  	v6 =	vadd.s32 v3, v6;
	_ =	sdelay $0x3  }
0xa5: {  	s20 =	simm.s32 $0x14880  }
0xa6: {  	[tilespmem:s20], [sflag:$0x3] =	stream.indirect_vreg.gather [hbm4b:s1+s3], $0x80, v6, vm0, $0xb8;
	[tilespmem:$0x18880] =	vst v63  }
0xa7: {  	v5 =	vperm.xlane v5, v4;
	s20 =	simm.s32 $0x15080  }
0xa8: {  	[tilespmem:s20], [sflag:$0x3] =	stream.indirect_vreg.gather [hbm4b:s5+s3], $0x80, v6, vm0, $0xb8;
	[tilespmem:$0x18880] =	vst v63  }
0xa9: {  	v5 =	vadd.s32 v3, v5;
	s20 =	simm.s32 $0x15880  }
0xaa: {  	[tilespmem:s20], [sflag:$0x3] =	stream.indirect_vreg.gather [hbm4b:s6+s3], $0x80, v6, vm0, $0xb8;
	[tilespmem:$0x18880] =	vst v63  }
0xab: {  	s20 =	simm.s32 $0x16080  }
0xac: {  	[tilespmem:s20], [sflag:$0x3] =	stream.indirect_vreg.gather [hbm4b:s7+s3], $0x80, v6, vm0, $0xb8;
	[tilespmem:$0x18880] =	vst v63  }
0xad: {  	s20 =	simm.s32 $0x16880  }
0xae: {  	[tilespmem:s20], [sflag:$0x3] =	stream.indirect_vreg.gather [hbm4b:s1+s3], $0x80, v5, vm0, $0xb8;
	[tilespmem:$0x18880] =	vst v63  }
0xaf: {  	s20 =	simm.s32 $0x17080  }
0xb0: {  	[tilespmem:s20], [sflag:$0x3] =	stream.indirect_vreg.gather [hbm4b:s5+s3], $0x80, v5, vm0, $0xb8;
	[tilespmem:$0x18880] =	vst v63  }
0xb1: {  	s20 =	simm.s32 $0x17880  }
0xb2: {  	[tilespmem:s20], [sflag:$0x3] =	stream.indirect_vreg.gather [hbm4b:s6+s3], $0x80, v5, vm0, $0xb8;
	[tilespmem:$0x18880] =	vst v63  }
0xb3: {  	s20 =	simm.s32 $0x18080  }
0xb4: {  	[tilespmem:s20], [sflag:$0x3] =	stream.indirect_vreg.gather [hbm4b:s7+s3], $0x80, v5, vm0, $0xb8;
	[tilespmem:$0x18880] =	vst v63  }
0xb5: {  	_ =	swait.ge [sflag:s13], $0x8000  }
0xb6: {  	[sflag:s13] =	ssyncset.done $0x0  }
0xb7: {  	s20 =	sadd.s32 $0x1000, s19;
	[sflag:s13] =	ssyncadd.s32 $0xFFFF8000  }
0xb8: {  	[hbm4b:s20+s3] =	stream.linear.scatter [tilespmem:s31], [sflag:$0x5], $0x8000, $0x38;
	[tilespmem:$0x18880] =	vst v63  }
0xb9: {  	_ =	swait.ge [sflag:s15], $0x8000  }
0xba: {  	[sflag:s15] =	ssyncset.done $0x0  }
0xbb: {  	[sflag:s15] =	ssyncadd.s32 $0xFFFF8000  }
0xbc: {  	v5 =	vld [tilespmem:s18+$0x20];
	_ =	sdelay $0x4  }
0xbd: {  	v6 =	vshll.u32 v5, $0x3  }
0xbe: {  	v5 =	vand.u32 $0x7, v5;
	v6 =	vand.u32 $0xFFFFFFC0, v6  }
0xbf: {  	v5 =	vor.u32 v5, v6  }
0xc0: {  	v6 =	vperm.xlane v5, v2;
	_ =	sdelay $0x1  }
0xc1: {  	v6 =	vadd.s32 v3, v6;
	_ =	sdelay $0x4  }
0xc2: {  	[tilespmem:s14], [sflag:$0x1] =	stream.indirect_vreg.gather [hbm4b:s1+s3], $0x80, v6, vm0, $0xb8;
	[tilespmem:$0x18880] =	vst v63  }
0xc3: {  	s20 =	simm.s32 $0x1080;
	v5 =	vperm.xlane v5, v4  }
0xc4: {  	[tilespmem:s20], [sflag:$0x1] =	stream.indirect_vreg.gather [hbm4b:s5+s3], $0x80, v6, vm0, $0xb8;
	[tilespmem:$0x18880] =	vst v63  }
0xc5: {  	v5 =	vadd.s32 v3, v5;
	s20 =	simm.s32 $0x1880  }
0xc6: {  	[tilespmem:s20], [sflag:$0x1] =	stream.indirect_vreg.gather [hbm4b:s6+s3], $0x80, v6, vm0, $0xb8;
	[tilespmem:$0x18880] =	vst v63  }
0xc7: {  	s20 =	simm.s32 $0x2080  }
0xc8: {  	[tilespmem:s20], [sflag:$0x1] =	stream.indirect_vreg.gather [hbm4b:s7+s3], $0x80, v6, vm0, $0xb8;
	[tilespmem:$0x18880] =	vst v63  }
0xc9: {  	s20 =	simm.s32 $0x2880  }
0xca: {  	[tilespmem:s20], [sflag:$0x1] =	stream.indirect_vreg.gather [hbm4b:s1+s3], $0x80, v5, vm0, $0xb8;
	[tilespmem:$0x18880] =	vst v63  }
0xcb: {  	s20 =	simm.s32 $0x3080  }
0xcc: {  	[tilespmem:s20], [sflag:$0x1] =	stream.indirect_vreg.gather [hbm4b:s5+s3], $0x80, v5, vm0, $0xb8;
	[tilespmem:$0x18880] =	vst v63  }
0xcd: {  	s20 =	simm.s32 $0x3880  }
0xce: {  	[tilespmem:s20], [sflag:$0x1] =	stream.indirect_vreg.gather [hbm4b:s6+s3], $0x80, v5, vm0, $0xb8;
	[tilespmem:$0x18880] =	vst v63  }
0xcf: {  	s20 =	simm.s32 $0x4080  }
0xd0: {  	[tilespmem:s20], [sflag:$0x1] =	stream.indirect_vreg.gather [hbm4b:s7+s3], $0x80, v5, vm0, $0xb8;
	[tilespmem:$0x18880] =	vst v63  }
0xd1: {  	v5 =	vld [tilespmem:s18+$0x30];
	_ =	sdelay $0x4  }
0xd2: {  	v6 =	vshll.u32 v5, $0x3  }
0xd3: {  	v5 =	vand.u32 $0x7, v5;
	v6 =	vand.u32 $0xFFFFFFC0, v6  }
0xd4: {  	v5 =	vor.u32 v5, v6  }
0xd5: {  	v6 =	vperm.xlane v5, v2;
	_ =	sdelay $0x1  }
0xd6: {  	v6 =	vadd.s32 v3, v6;
	_ =	sdelay $0x3  }
0xd7: {  	s20 =	simm.s32 $0x4880  }
0xd8: {  	[tilespmem:s20], [sflag:$0x1] =	stream.indirect_vreg.gather [hbm4b:s1+s3], $0x80, v6, vm0, $0xb8;
	[tilespmem:$0x18880] =	vst v63  }
0xd9: {  	v5 =	vperm.xlane v5, v4;
	s20 =	simm.s32 $0x5080  }
0xda: {  	[tilespmem:s20], [sflag:$0x1] =	stream.indirect_vreg.gather [hbm4b:s5+s3], $0x80, v6, vm0, $0xb8;
	[tilespmem:$0x18880] =	vst v63  }
0xdb: {  	v5 =	vadd.s32 v3, v5;
	s20 =	simm.s32 $0x5880  }
0xdc: {  	[tilespmem:s20], [sflag:$0x1] =	stream.indirect_vreg.gather [hbm4b:s6+s3], $0x80, v6, vm0, $0xb8;
	[tilespmem:$0x18880] =	vst v63  }
0xdd: {  	s20 =	simm.s32 $0x6080  }
0xde: {  	[tilespmem:s20], [sflag:$0x1] =	stream.indirect_vreg.gather [hbm4b:s7+s3], $0x80, v6, vm0, $0xb8;
	[tilespmem:$0x18880] =	vst v63  }
0xdf: {  	s20 =	simm.s32 $0x6880  }
0xe0: {  	[tilespmem:s20], [sflag:$0x1] =	stream.indirect_vreg.gather [hbm4b:s1+s3], $0x80, v5, vm0, $0xb8;
	[tilespmem:$0x18880] =	vst v63  }
0xe1: {  	s20 =	simm.s32 $0x7080  }
0xe2: {  	[tilespmem:s20], [sflag:$0x1] =	stream.indirect_vreg.gather [hbm4b:s5+s3], $0x80, v5, vm0, $0xb8;
	[tilespmem:$0x18880] =	vst v63  }
0xe3: {  	s17 =	sadd.s32 $0x3000, s17;
	s20 =	simm.s32 $0x7880  }
0xe4: {  	[tilespmem:s20], [sflag:$0x1] =	stream.indirect_vreg.gather [hbm4b:s6+s3], $0x80, v5, vm0, $0xb8;
	[tilespmem:$0x18880] =	vst v63  }
0xe5: {  	p0 =	sne.s32 s17, $0x1E000;
	s20 =	simm.s32 $0x8080  }
0xe6: {  	[tilespmem:s20], [sflag:$0x1] =	stream.indirect_vreg.gather [hbm4b:s7+s3], $0x80, v5, vm0, $0xb8;
	[tilespmem:$0x18880] =	vst v63  }
.Ltmp1:
0xe7: {  	_ = 	snop;
	(pc) =	sbr.rel @p0 .LBB2_4-.Ltmp1, $4  }
0xe8: {  	_ =	swait.ge [sflag:s16], $0x8000  }
0xe9: {  	[sflag:s16] =	ssyncset.done $0x0  }
0xea: {  	s19 =	sadd.s32 $0x2000, s19;
	s18 =	sadd.s32 $0x60, s18;
	[sflag:s16] =	ssyncadd.s32 $0xFFFF8000  }
0xeb: {  	[hbm4b:s19+s3] =	stream.linear.scatter [tilespmem:s22], [sflag:$0x6], $0x8000, $0x38;
	[tilespmem:$0x18880] =	vst v63  }
0xec: {  	s18 =	simm.s32 $0x5  }
0xed: {  	_ =	swait.ge [sflag:s18], $0x8000  }
0xee: {  	[sflag:s18] =	ssyncset.done $0x0  }
0xef: {  	[sflag:s18] =	ssyncadd.s32 $0xFFFF8000  }
0xf0: {  	v5 =	vld [tilespmem:$0x3E0];
	_ =	sdelay $0x4  }
0xf1: {  	v6 =	vshll.u32 v5, $0x3  }
0xf2: {  	v5 =	vand.u32 $0x7, v5;
	v6 =	vand.u32 $0xFFFFFFC0, v6  }
0xf3: {  	v5 =	vor.u32 v5, v6  }
0xf4: {  	v6 =	vperm.xlane v5, v2;
	_ =	sdelay $0x1  }
0xf5: {  	v6 =	vadd.s32 v3, v6;
	_ =	sdelay $0x4  }
0xf6: {  	[tilespmem:s31], [sflag:$0x2] =	stream.indirect_vreg.gather [hbm4b:s1+s3], $0x80, v6, vm0, $0xb8;
	[tilespmem:$0x18880] =	vst v63  }
0xf7: {  	v5 =	vperm.xlane v5, v4  }
0xf8: {  	[tilespmem:s23], [sflag:$0x2] =	stream.indirect_vreg.gather [hbm4b:s5+s3], $0x80, v6, vm0, $0xb8;
	[tilespmem:$0x18880] =	vst v63  }
0xf9: {  	v5 =	vadd.s32 v3, v5  }
0xfa: {  	[tilespmem:s24], [sflag:$0x2] =	stream.indirect_vreg.gather [hbm4b:s6+s3], $0x80, v6, vm0, $0xb8;
	[tilespmem:$0x18880] =	vst v63  }
0xfb: {  	_ = 	snop  }
0xfc: {  	[tilespmem:s25], [sflag:$0x2] =	stream.indirect_vreg.gather [hbm4b:s7+s3], $0x80, v6, vm0, $0xb8;
	[tilespmem:$0x18880] =	vst v63  }
0xfd: {  	_ = 	snop  }
0xfe: {  	[tilespmem:s26], [sflag:$0x2] =	stream.indirect_vreg.gather [hbm4b:s1+s3], $0x80, v5, vm0, $0xb8;
	[tilespmem:$0x18880] =	vst v63  }
0xff: {  	_ = 	snop  }
0x100: {  	[tilespmem:s28], [sflag:$0x2] =	stream.indirect_vreg.gather [hbm4b:s5+s3], $0x80, v5, vm0, $0xb8;
	[tilespmem:$0x18880] =	vst v63  }
0x101: {  	_ = 	snop  }
0x102: {  	[tilespmem:s29], [sflag:$0x2] =	stream.indirect_vreg.gather [hbm4b:s6+s3], $0x80, v5, vm0, $0xb8;
	[tilespmem:$0x18880] =	vst v63  }
0x103: {  	_ = 	snop  }
0x104: {  	[tilespmem:s30], [sflag:$0x2] =	stream.indirect_vreg.gather [hbm4b:s7+s3], $0x80, v5, vm0, $0xb8;
	[tilespmem:$0x18880] =	vst v63  }
0x105: {  	v5 =	vld [tilespmem:$0x3F0];
	_ =	sdelay $0x4  }
0x106: {  	v6 =	vshll.u32 v5, $0x3  }
0x107: {  	v5 =	vand.u32 $0x7, v5;
	v6 =	vand.u32 $0xFFFFFFC0, v6  }
0x108: {  	v5 =	vor.u32 v5, v6  }
0x109: {  	v6 =	vperm.xlane v5, v2;
	_ =	sdelay $0x1  }
0x10a: {  	v6 =	vadd.s32 v3, v6;
	_ =	sdelay $0x4  }
0x10b: {  	[tilespmem:s2], [sflag:$0x2] =	stream.indirect_vreg.gather [hbm4b:s1+s3], $0x80, v6, vm0, $0xb8;
	[tilespmem:$0x18880] =	vst v63  }
0x10c: {  	v5 =	vperm.xlane v5, v4  }
0x10d: {  	[tilespmem:s0], [sflag:$0x2] =	stream.indirect_vreg.gather [hbm4b:s5+s3], $0x80, v6, vm0, $0xb8;
	[tilespmem:$0x18880] =	vst v63  }
0x10e: {  	v5 =	vadd.s32 v3, v5  }
0x10f: {  	[tilespmem:s12], [sflag:$0x2] =	stream.indirect_vreg.gather [hbm4b:s6+s3], $0x80, v6, vm0, $0xb8;
	[tilespmem:$0x18880] =	vst v63  }
0x110: {  	_ = 	snop  }
0x111: {  	[tilespmem:s4], [sflag:$0x2] =	stream.indirect_vreg.gather [hbm4b:s7+s3], $0x80, v6, vm0, $0xb8;
	[tilespmem:$0x18880] =	vst v63  }
0x112: {  	_ = 	snop  }
0x113: {  	[tilespmem:s8], [sflag:$0x2] =	stream.indirect_vreg.gather [hbm4b:s1+s3], $0x80, v5, vm0, $0xb8;
	[tilespmem:$0x18880] =	vst v63  }
0x114: {  	_ = 	snop  }
0x115: {  	[tilespmem:s9], [sflag:$0x2] =	stream.indirect_vreg.gather [hbm4b:s5+s3], $0x80, v5, vm0, $0xb8;
	[tilespmem:$0x18880] =	vst v63  }
0x116: {  	_ = 	snop  }
0x117: {  	[tilespmem:s10], [sflag:$0x2] =	stream.indirect_vreg.gather [hbm4b:s6+s3], $0x80, v5, vm0, $0xb8;
	[tilespmem:$0x18880] =	vst v63  }
0x118: {  	_ = 	snop  }
0x119: {  	[tilespmem:s11], [sflag:$0x2] =	stream.indirect_vreg.gather [hbm4b:s7+s3], $0x80, v5, vm0, $0xb8;
	[tilespmem:$0x18880] =	vst v63  }
0x11a: {  	_ =	swait.ge [sflag:s21], $0x8000  }
0x11b: {  	[sflag:s21] =	ssyncset.done $0x0  }
0x11c: {  	s20 =	simm.s32 $0x6;
	s17 =	rddreg [dreg:$0x6];
	[sflag:s21] =	ssyncadd.s32 $0xFFFF8000  }
0x11d: {  	[hbm4b:s17+s3] =	stream.linear.scatter [tilespmem:s14], [sflag:$0x4], $0x8000, $0x38;
	[tilespmem:$0x18880] =	vst v63  }
0x11e: {  	_ =	swait.ge [sflag:s20], $0x8000  }
0x11f: {  	[sflag:s20] =	ssyncset.done $0x0  }
0x120: {  	[sflag:s20] =	ssyncadd.s32 $0xFFFF8000  }
0x121: {  	v5 =	vld [tilespmem:$0x400];
	_ =	sdelay $0x4  }
0x122: {  	v6 =	vshll.u32 v5, $0x3  }
0x123: {  	v5 =	vand.u32 $0x7, v5;
	v6 =	vand.u32 $0xFFFFFFC0, v6  }
0x124: {  	v5 =	vor.u32 v5, v6  }
0x125: {  	v6 =	vperm.xlane v5, v2;
	_ =	sdelay $0x1  }
0x126: {  	v6 =	vadd.s32 v3, v6;
	_ =	sdelay $0x4  }
0x127: {  	[tilespmem:s22], [sflag:$0x3] =	stream.indirect_vreg.gather [hbm4b:s1+s3], $0x80, v6, vm0, $0xb8;
	[tilespmem:$0x18880] =	vst v63  }
0x128: {  	s17 =	simm.s32 $0x11080;
	v5 =	vperm.xlane v5, v4  }
0x129: {  	[tilespmem:s17], [sflag:$0x3] =	stream.indirect_vreg.gather [hbm4b:s5+s3], $0x80, v6, vm0, $0xb8;
	[tilespmem:$0x18880] =	vst v63  }
0x12a: {  	s19 =	simm.s32 $0x11880;
	v5 =	vadd.s32 v3, v5  }
0x12b: {  	[tilespmem:s19], [sflag:$0x3] =	stream.indirect_vreg.gather [hbm4b:s6+s3], $0x80, v6, vm0, $0xb8;
	[tilespmem:$0x18880] =	vst v63  }
0x12c: {  	s20 =	simm.s32 $0x12080  }
0x12d: {  	[tilespmem:s20], [sflag:$0x3] =	stream.indirect_vreg.gather [hbm4b:s7+s3], $0x80, v6, vm0, $0xb8;
	[tilespmem:$0x18880] =	vst v63  }
0x12e: {  	s17 =	simm.s32 $0x12880  }
0x12f: {  	[tilespmem:s17], [sflag:$0x3] =	stream.indirect_vreg.gather [hbm4b:s1+s3], $0x80, v5, vm0, $0xb8;
	[tilespmem:$0x18880] =	vst v63  }
0x130: {  	s19 =	simm.s32 $0x13080  }
0x131: {  	[tilespmem:s19], [sflag:$0x3] =	stream.indirect_vreg.gather [hbm4b:s5+s3], $0x80, v5, vm0, $0xb8;
	[tilespmem:$0x18880] =	vst v63  }
0x132: {  	s20 =	simm.s32 $0x13880  }
0x133: {  	[tilespmem:s20], [sflag:$0x3] =	stream.indirect_vreg.gather [hbm4b:s6+s3], $0x80, v5, vm0, $0xb8;
	[tilespmem:$0x18880] =	vst v63  }
0x134: {  	s17 =	simm.s32 $0x14080  }
0x135: {  	[tilespmem:s17], [sflag:$0x3] =	stream.indirect_vreg.gather [hbm4b:s7+s3], $0x80, v5, vm0, $0xb8;
	[tilespmem:$0x18880] =	vst v63  }
0x136: {  	v5 =	vld [tilespmem:$0x410];
	_ =	sdelay $0x4  }
0x137: {  	v6 =	vshll.u32 v5, $0x3  }
0x138: {  	v5 =	vand.u32 $0x7, v5;
	v6 =	vand.u32 $0xFFFFFFC0, v6  }
0x139: {  	v5 =	vor.u32 v5, v6  }
0x13a: {  	v6 =	vperm.xlane v5, v2;
	_ =	sdelay $0x1  }
0x13b: {  	v6 =	vadd.s32 v3, v6;
	_ =	sdelay $0x3  }
0x13c: {  	s19 =	simm.s32 $0x14880  }
0x13d: {  	[tilespmem:s19], [sflag:$0x3] =	stream.indirect_vreg.gather [hbm4b:s1+s3], $0x80, v6, vm0, $0xb8;
	[tilespmem:$0x18880] =	vst v63  }
0x13e: {  	s20 =	simm.s32 $0x15080;
	v5 =	vperm.xlane v5, v4  }
0x13f: {  	[tilespmem:s20], [sflag:$0x3] =	stream.indirect_vreg.gather [hbm4b:s5+s3], $0x80, v6, vm0, $0xb8;
	[tilespmem:$0x18880] =	vst v63  }
0x140: {  	s17 =	simm.s32 $0x15880;
	v5 =	vadd.s32 v3, v5  }
0x141: {  	[tilespmem:s17], [sflag:$0x3] =	stream.indirect_vreg.gather [hbm4b:s6+s3], $0x80, v6, vm0, $0xb8;
	[tilespmem:$0x18880] =	vst v63  }
0x142: {  	s19 =	simm.s32 $0x16080  }
0x143: {  	[tilespmem:s19], [sflag:$0x3] =	stream.indirect_vreg.gather [hbm4b:s7+s3], $0x80, v6, vm0, $0xb8;
	[tilespmem:$0x18880] =	vst v63  }
0x144: {  	s20 =	simm.s32 $0x16880  }
0x145: {  	[tilespmem:s20], [sflag:$0x3] =	stream.indirect_vreg.gather [hbm4b:s1+s3], $0x80, v5, vm0, $0xb8;
	[tilespmem:$0x18880] =	vst v63  }
0x146: {  	s17 =	simm.s32 $0x17080  }
0x147: {  	[tilespmem:s17], [sflag:$0x3] =	stream.indirect_vreg.gather [hbm4b:s5+s3], $0x80, v5, vm0, $0xb8;
	[tilespmem:$0x18880] =	vst v63  }
0x148: {  	s19 =	simm.s32 $0x17880  }
0x149: {  	[tilespmem:s19], [sflag:$0x3] =	stream.indirect_vreg.gather [hbm4b:s6+s3], $0x80, v5, vm0, $0xb8;
	[tilespmem:$0x18880] =	vst v63  }
0x14a: {  	s20 =	simm.s32 $0x18080  }
0x14b: {  	[tilespmem:s20], [sflag:$0x3] =	stream.indirect_vreg.gather [hbm4b:s7+s3], $0x80, v5, vm0, $0xb8;
	[tilespmem:$0x18880] =	vst v63  }
0x14c: {  	_ =	swait.ge [sflag:s13], $0x8000  }
0x14d: {  	[sflag:s13] =	ssyncset.done $0x0  }
0x14e: {  	s0 =	rddreg [dreg:$0x7];
	[sflag:s13] =	ssyncadd.s32 $0xFFFF8000  }
0x14f: {  	[hbm4b:s0+s3] =	stream.linear.scatter [tilespmem:s31], [sflag:$0x5], $0x8000, $0x38;
	[tilespmem:$0x18880] =	vst v63  }
0x150: {  	_ =	swait.ge [sflag:s16], $0x8000  }
0x151: {  	[sflag:s16] =	ssyncset.done $0x0  }
0x152: {  	[sflag:s16] =	ssyncadd.s32 $0xFFFF8000  }
0x153: {  	_ =	swait.ge [sflag:s15], $0x8000  }
0x154: {  	[sflag:s15] =	ssyncset.done $0x0  }
0x155: {  	[sflag:s15] =	ssyncadd.s32 $0xFFFF8000  }
0x156: {  	_ =	swait.ge [sflag:s18], $0x8000  }
0x157: {  	s19 =	rddreg [dreg:$0xa]  }
0x158: {  	s20 =	rddreg [dreg:$0x8];
	s0 =	sadd.s32 $0x1, s19  }
0x159: {  	p0 =	sne.s32 s0, s20  }
.Ltmp2:
0x15a: {  	_ = 	snop;
	(pc) =	sbr.rel @p0 .LBB2_1-.Ltmp2, $3  }
0x15b: {  	_ =	sdelay $0x1  }
0x15c: {  	[sflag:s18] =	ssyncset.done $0x0  }
0x15d: {  	[sflag:s18] =	ssyncadd.s32 $0xFFFF8000  }
0x15e: {  	_ =	sfence.sel $0x180000  }
0x15f: {  	[bflag:$0x0] =	sbarrier.arrive $0xFFFF  }
0x160: {  	_ =	strace $0x90000047  }
0x161: {  	s0 =	stileid.u32;
	[bflag:$0x2] =	sbarrier.arrive $0xFFFF  }
0x162: {  	p0 =	sne.s32 s0, $0x0;
	s0 =	rddreg [dreg:$0x3]  }
0x163: {  	s0 =	sadd.s32 @!p0 $0x100000, s0  }
0x164: {  	[sflag:s0] =	ssyncadd.tile.s32 @!p0 $0x1;
	_ =	shalt  }
.Lfunc_end2:
_tile_overlayer_lowered:
.L_overlay_start_2:
0x165: {  	(tag) =	ssettag $0x2  }
0x166: {  	s0 =	rddreg [dreg:$0x0];
	s2 =	stileid.u32  }
0x167: {  	s1 =	rddreg [dreg:$0x1];
	p0 =	sne.s32 s2, $0x0  }
0x168: {  	s3 =	rddreg [dreg:$0x2];
	[bflag:$0x3] =	sbarrier.arrive $0xFFFF;
	s2 =	simm.s32 @!p0 $0x1C07  }
0x169: {  	[timem:s3], [sflag:s2] =	dma.local @!p0 [hbm:s0], s1  }
0x16a: {  	s0 =	simm.s32 @!p0 $0x7  }
0x16b: {  	_ =	swait.ge @!p0 [sflag:s0], s1  }
0x16c: {  	s1 =	ssub.s32 @!p0 $0x0, s1;
	[sflag:s0] =	ssyncset.done @!p0 $0x0  }
0x16d: {  	[sflag:s0] =	ssyncadd.s32 @!p0 s1  }
0x16e: {  	[bflag:$0x3] =	sbarrier.arrive $0xFFFF  }
0x16f: {  	_ =	shalt  }

</sc_bundles>
